<compile_context>
chip_gen: v7x
topology: tpu7x:2x2x1
jax: 0.10.2.dev20260603
libtpu: 0.0.44.dev20260713+nightly
codegen_flags: <defaults>
</compile_context>

<pallas_src>
import functools

import jax
import jax.numpy as jnp
from jax import lax
from jax.experimental import pallas as pl
from jax.experimental.pallas import tpu as pltpu
from jax.experimental.pallas import tpu_sc as plsc


def _make_sc_voxelize(B, N, V):
    info = plsc.get_sparse_core_info()
    NC, NS, L = info.num_cores, info.num_subcores, info.num_lanes
    NW = NC * NS
    assert B % NW == 0
    b_per_w = B // NW
    M3 = V * V * V
    mesh = plsc.VectorSubcoreMesh(core_axis_name="c", subcore_axis_name="s")

    assert b_per_w == 2

    @functools.partial(
        pl.kernel,
        mesh=mesh,
        compiler_params=pltpu.CompilerParams(needs_layout_passes=False),
        out_type=jax.ShapeDtypeStruct((B, M3), jnp.float32),
        scratch_types=[
            [pltpu.VMEM((N,), jnp.float32) for _ in range(3)],
            [pltpu.VMEM((N,), jnp.float32) for _ in range(3)],
            pltpu.VMEM((M3,), jnp.float32),
            pltpu.VMEM((M3,), jnp.float32),
            pltpu.SemaphoreType.DMA,
            pltpu.SemaphoreType.DMA,
            pltpu.SemaphoreType.DMA,
        ],
    )
    def sc_voxelize(pts_hbm, mask_hbm, pts0_v, pts1_v, mask0_v, mask1_v,
                    sem_in0, sem_in1, sem_out):
        wid = lax.axis_index("s") * NC + lax.axis_index("c")
        zeros = jnp.zeros((L,), jnp.float32)
        ones = jnp.ones((L,), jnp.float32)
        b0 = wid * 2
        in0 = [pltpu.async_copy(pts_hbm.at[c, b0], pts0_v[c], sem_in0)
               for c in range(3)]
        in1 = [pltpu.async_copy(pts_hbm.at[c, b0 + 1], pts1_v[c], sem_in1)
               for c in range(3)]

        half = jnp.float32((V - 1) / 2.0)

        def quant(p):
            return (p * half + half).astype(jnp.int32)

        def zero_all(mask_v):
            @plsc.parallel_loop(0, M3 // L, unroll=4)
            def _body(i):
                mask_v[pl.ds(i * L, L)] = zeros

        def scatter_pass(pts_v, mask_v, also_zero):
            zpw = M3 // N

            @plsc.parallel_loop(0, N // L, unroll=4)
            def _body(i):
                sl = pl.ds(i * L, L)
                if also_zero is not None:
                    for k in range(zpw):
                        also_zero[pl.ds((i * zpw + k) * L, L)] = zeros
                lin = (quant(pts_v[0][sl]) * (V * V)
                       + quant(pts_v[1][sl]) * V
                       + quant(pts_v[2][sl]))
                plsc.store_scatter(mask_v, [lin], ones)

        zero_all(mask0_v)
        for c in in0:
            c.wait()
        scatter_pass(pts0_v, mask0_v, mask1_v)
        out0 = pltpu.async_copy(mask0_v, mask_hbm.at[b0], sem_out)
        for c in in1:
            c.wait()
        scatter_pass(pts1_v, mask1_v, None)
        out1 = pltpu.async_copy(mask1_v, mask_hbm.at[b0 + 1], sem_out)
        out0.wait()
        out1.wait()

    return sc_voxelize


def _logs_body(pred_ref, s1_ref, d_ref):
    i = pl.program_id(0)
    h = pred_ref.shape[0] // 2
    p = pred_ref[...]
    c = jnp.concatenate([p[:h], p[h:]], axis=1)
    logp = jnp.log(c)
    log1mp = jnp.log(1.0 - c)
    d_ref[...] = (logp - log1mp).astype(jnp.bfloat16)

    @pl.when(i == 0)
    def _init():
        s1_ref[0, 0] = 0.0

    s1_ref[0, 0] += jnp.sum(log1mp)


def _trace_body(nblocks, nb, blk, inv_m, mask_hbm, d_ref, s1_ref, out_ref,
                mall, sems):
    i = pl.program_id(0)
    h = blk // 2
    nsplit = 2
    rq = nb // nsplit

    def dmas(idx):
        return [
            pltpu.make_async_copy(
                mask_hbm.at[pl.ds(r * rq, rq), pl.ds(idx * blk, blk)],
                mall.at[pl.ds(r * rq, rq), pl.ds(idx * blk, blk)],
                sems.at[idx],
            )
            for r in range(nsplit)
        ]

    @pl.when(i == 0)
    def _prime():
        for j in range(nblocks):
            for c in dmas(j):
                c.start()

    for c in dmas(i):
        c.wait()

    m = mall[:, pl.ds(i * blk, blk)].astype(jnp.bfloat16)
    d = d_ref[...]
    c = lax.dot_general(
        m[:, :h], d[:, :nb], (((1,), (0,)), ((), ())),
        preferred_element_type=jnp.float32,
    ) + lax.dot_general(
        m[:, h:], d[:, nb:], (((1,), (0,)), ((), ())),
        preferred_element_type=jnp.float32,
    )
    eye = (
        lax.broadcasted_iota(jnp.int32, (nb, nb), 0)
        == lax.broadcasted_iota(jnp.int32, (nb, nb), 1)
    ).astype(jnp.float32)
    tr = jnp.sum(c * eye)

    @pl.when(i == 0)
    def _init():
        out_ref[0, 0] = s1_ref[0, 0]

    out_ref[0, 0] += tr

    @pl.when(i == nblocks - 1)
    def _fin():
        out_ref[0, 0] = out_ref[0, 0] * (-inv_m)


def kernel(pred_voxels, gt_points, voxel_size):
    B, V = pred_voxels.shape[0], pred_voxels.shape[1]
    N = gt_points.shape[1]
    del voxel_size

    pts_t = gt_points.transpose(2, 0, 1)
    mask = _make_sc_voxelize(B, N, V)(pts_t)

    rows = V * V * V
    total = B * rows
    pred_t = pred_voxels.transpose(1, 2, 3, 0).reshape(rows, B)
    blk = 4096
    nblocks = rows // blk

    s1, d = pl.pallas_call(
        _logs_body,
        grid=(nblocks,),
        in_specs=[pl.BlockSpec((blk, B), lambda i: (i, 0))],
        out_specs=[
            pl.BlockSpec((1, 1), lambda i: (0, 0), memory_space=pltpu.SMEM),
            pl.BlockSpec((blk // 2, 2 * B), lambda i: (i, 0)),
        ],
        out_shape=[
            jax.ShapeDtypeStruct((1, 1), jnp.float32),
            jax.ShapeDtypeStruct((rows // 2, 2 * B), jnp.bfloat16),
        ],
    )(pred_t)

    out = pl.pallas_call(
        functools.partial(_trace_body, nblocks, B, blk, 1.0 / total),
        grid=(nblocks,),
        in_specs=[
            pl.BlockSpec(memory_space=pl.ANY),
            pl.BlockSpec((blk // 2, 2 * B), lambda i: (i, 0)),
            pl.BlockSpec((1, 1), lambda i: (0, 0), memory_space=pltpu.SMEM),
        ],
        out_specs=pl.BlockSpec((1, 1), lambda i: (0, 0), memory_space=pltpu.SMEM),
        out_shape=jax.ShapeDtypeStruct((1, 1), jnp.float32),
        scratch_shapes=[
            pltpu.VMEM((B, rows), jnp.float32),
            pltpu.SemaphoreType.DMA((nblocks,)),
        ],
    )(mask, d, s1)
    return out[0, 0]

# --- scband reference (transcript-rebuilt; emitter-appended) ---
"""Pipeline reference for scband-pix2-vox-loss-58377195487319 (READ-ONLY COPY).

The authoritative reference and input builder live on the scoring server;
editing this copy changes nothing except your own understanding.
"""

import jax, jax.numpy as jnp
import numpy as np


def pointcloud_to_voxels(points, voxel_size=32, static_size=32):
    B, N, _ = points.shape
    idx = ((points + 1.0) / 2.0 * (voxel_size - 1)).astype(jnp.int32)
    idx = jnp.clip(idx, 0, voxel_size - 1)
    b_idx = jnp.broadcast_to(jnp.arange(B)[:, None], (B, N))
    voxels = jnp.zeros((B, static_size, static_size, static_size), dtype=jnp.float32)
    voxels = voxels.at[b_idx, idx[..., 0], idx[..., 1], idx[..., 2]].set(1.0)
    return voxels


def setup_inputs(seed: int = 0) -> dict:
    key = jax.random.key(seed)
    k1, k2 = jax.random.split(key)
    B, V, N = 64, 32, 8192
    # predicted occupancy probabilities in (0, 1)
    pred_voxels = jax.random.uniform(k1, (B, V, V, V), dtype=jnp.float32, minval=1e-4, maxval=1.0 - 1e-4)
    # ground-truth point cloud in [-1, 1]
    gt_points = jax.random.uniform(k2, (B, N, 3), dtype=jnp.float32, minval=-1.0, maxval=1.0)
    return {"pred_voxels": pred_voxels, "gt_points": gt_points, "voxel_size": 32}


def reference(pred_voxels, gt_points, voxel_size=32):
    gt_voxels = pointcloud_to_voxels(gt_points, voxel_size, static_size=pred_voxels.shape[1])
    # F.binary_cross_entropy with mean reduction; torch clamps log to >= -100
    logp = jnp.clip(jnp.log(pred_voxels), -100.0, None)
    log1mp = jnp.clip(jnp.log(1.0 - pred_voxels), -100.0, None)
    loss = -jnp.mean(gt_voxels * logp + (1.0 - gt_voxels) * log1mp)
    return loss

if __name__ == "__main__":
    import jax
    _d = setup_inputs()
    print(jax.jit(kernel)(*tuple(_d.values())))

</pallas_src>

<mosaic_0001>
#map = affine_map<(d0, d1) -> (0, 0, 0)>
#map1 = affine_map<(d0, d1) -> (0, 0)>
module attributes {stable_mosaic.version = 14 : i64} {
  func.func @sc_voxelize(%arg0: i32, %arg1: i32, %arg2: memref<3x64x8192xf32, #tpu.memory_space<hbm>>, %arg3: memref<64x32768xf32, #tpu.memory_space<hbm>>, %arg4: memref<8192xf32, #tpu.memory_space<vmem>>, %arg5: memref<8192xf32, #tpu.memory_space<vmem>>, %arg6: memref<8192xf32, #tpu.memory_space<vmem>>, %arg7: memref<8192xf32, #tpu.memory_space<vmem>>, %arg8: memref<8192xf32, #tpu.memory_space<vmem>>, %arg9: memref<8192xf32, #tpu.memory_space<vmem>>, %arg10: memref<32768xf32, #tpu.memory_space<vmem>>, %arg11: memref<32768xf32, #tpu.memory_space<vmem>>, %arg12: memref<!tpu.dma_semaphore, #tpu.memory_space<semaphore_mem>>, %arg13: memref<!tpu.dma_semaphore, #tpu.memory_space<semaphore_mem>>, %arg14: memref<!tpu.dma_semaphore, #tpu.memory_space<semaphore_mem>>) attributes {dimension_semantics = [#tpu.dimension_semantics<core_parallel>, #tpu.dimension_semantics<subcore_parallel>], iteration_bounds = array<i64: 2, 16>, scalar_prefetch = 0 : i64, scratch_operands = 11 : i64, tpu.core_type = #tpu.core_type<sc_vector_subcore>, window_params = [{transform_indices = #map}, {transform_indices = #map1}]} {
    %mul3A = arith.constant 2 : i32
    %mul3A_0 = arith.muli %arg1, %mul3A : i32
    %add3A = arith.addi %mul3A_0, %arg0 : i32
    %broadcast_in_dim3A = arith.constant 0.000000e+00 : f32
    %broadcast_in_dim3A_1 = vector.broadcast %broadcast_in_dim3A : f32 to vector<16xf32>
    %broadcast_in_dim3A_2 = arith.constant 1.000000e+00 : f32
    %broadcast_in_dim3A_3 = vector.broadcast %broadcast_in_dim3A_2 : f32 to vector<16xf32>
    %mul3A_4 = arith.constant 2 : i32
    %mul3A_5 = arith.muli %add3A, %mul3A_4 : i32
    %dma_start3A = arith.constant 0 : i32
    %dma_start3A_6 = arith.constant 0 : i32
    %dma_start3A_7 = tpu.memref_slice %arg2[%dma_start3A, %mul3A_5, %dma_start3A_6] : memref<3x64x8192xf32, #tpu.memory_space<hbm>> -> memref<1x1x8192xf32, #tpu.memory_space<hbm>>
    %dma_start3A_8 = tpu.memref_squeeze %dma_start3A_7 : memref<1x1x8192xf32, #tpu.memory_space<hbm>> -> memref<8192xf32, #tpu.memory_space<hbm>>
    %dma_start3A_9 = arith.constant 0 : i32
    %dma_start3A_10 = tpu.memref_slice %arg2[%dma_start3A, %mul3A_5, %dma_start3A_9] : memref<3x64x8192xf32, #tpu.memory_space<hbm>> -> memref<1x1x8192xf32, #tpu.memory_space<hbm>>
    %dma_start3A_11 = tpu.memref_squeeze %dma_start3A_10 : memref<1x1x8192xf32, #tpu.memory_space<hbm>> -> memref<8192xf32, #tpu.memory_space<hbm>>
    tpu.enqueue_dma source(%dma_start3A_11 : memref<8192xf32, #tpu.memory_space<hbm>>) target(%arg4 : memref<8192xf32, #tpu.memory_space<vmem>>) target_semaphore(%arg12 : memref<!tpu.dma_semaphore, #tpu.memory_space<semaphore_mem>>)
    %dma_start3A_12 = arith.constant 1 : i32
    %dma_start3A_13 = arith.constant 0 : i32
    %dma_start3A_14 = tpu.memref_slice %arg2[%dma_start3A_12, %mul3A_5, %dma_start3A_13] : memref<3x64x8192xf32, #tpu.memory_space<hbm>> -> memref<1x1x8192xf32, #tpu.memory_space<hbm>>
    %dma_start3A_15 = tpu.memref_squeeze %dma_start3A_14 : memref<1x1x8192xf32, #tpu.memory_space<hbm>> -> memref<8192xf32, #tpu.memory_space<hbm>>
    %dma_start3A_16 = arith.constant 0 : i32
    %dma_start3A_17 = tpu.memref_slice %arg2[%dma_start3A_12, %mul3A_5, %dma_start3A_16] : memref<3x64x8192xf32, #tpu.memory_space<hbm>> -> memref<1x1x8192xf32, #tpu.memory_space<hbm>>
    %dma_start3A_18 = tpu.memref_squeeze %dma_start3A_17 : memref<1x1x8192xf32, #tpu.memory_space<hbm>> -> memref<8192xf32, #tpu.memory_space<hbm>>
    tpu.enqueue_dma source(%dma_start3A_18 : memref<8192xf32, #tpu.memory_space<hbm>>) target(%arg5 : memref<8192xf32, #tpu.memory_space<vmem>>) target_semaphore(%arg12 : memref<!tpu.dma_semaphore, #tpu.memory_space<semaphore_mem>>)
    %dma_start3A_19 = arith.constant 2 : i32
    %dma_start3A_20 = arith.constant 0 : i32
    %dma_start3A_21 = tpu.memref_slice %arg2[%dma_start3A_19, %mul3A_5, %dma_start3A_20] : memref<3x64x8192xf32, #tpu.memory_space<hbm>> -> memref<1x1x8192xf32, #tpu.memory_space<hbm>>
    %dma_start3A_22 = tpu.memref_squeeze %dma_start3A_21 : memref<1x1x8192xf32, #tpu.memory_space<hbm>> -> memref<8192xf32, #tpu.memory_space<hbm>>
    %dma_start3A_23 = arith.constant 0 : i32
    %dma_start3A_24 = tpu.memref_slice %arg2[%dma_start3A_19, %mul3A_5, %dma_start3A_23] : memref<3x64x8192xf32, #tpu.memory_space<hbm>> -> memref<1x1x8192xf32, #tpu.memory_space<hbm>>
    %dma_start3A_25 = tpu.memref_squeeze %dma_start3A_24 : memref<1x1x8192xf32, #tpu.memory_space<hbm>> -> memref<8192xf32, #tpu.memory_space<hbm>>
    tpu.enqueue_dma source(%dma_start3A_25 : memref<8192xf32, #tpu.memory_space<hbm>>) target(%arg6 : memref<8192xf32, #tpu.memory_space<vmem>>) target_semaphore(%arg12 : memref<!tpu.dma_semaphore, #tpu.memory_space<semaphore_mem>>)
    %add3A_26 = arith.constant 1 : i32
    %add3A_27 = arith.addi %mul3A_5, %add3A_26 : i32
    %dma_start3A_28 = arith.constant 0 : i32
    %dma_start3A_29 = arith.constant 0 : i32
    %dma_start3A_30 = tpu.memref_slice %arg2[%dma_start3A_28, %add3A_27, %dma_start3A_29] : memref<3x64x8192xf32, #tpu.memory_space<hbm>> -> memref<1x1x8192xf32, #tpu.memory_space<hbm>>
    %dma_start3A_31 = tpu.memref_squeeze %dma_start3A_30 : memref<1x1x8192xf32, #tpu.memory_space<hbm>> -> memref<8192xf32, #tpu.memory_space<hbm>>
    %dma_start3A_32 = arith.constant 0 : i32
    %dma_start3A_33 = tpu.memref_slice %arg2[%dma_start3A_28, %add3A_27, %dma_start3A_32] : memref<3x64x8192xf32, #tpu.memory_space<hbm>> -> memref<1x1x8192xf32, #tpu.memory_space<hbm>>
    %dma_start3A_34 = tpu.memref_squeeze %dma_start3A_33 : memref<1x1x8192xf32, #tpu.memory_space<hbm>> -> memref<8192xf32, #tpu.memory_space<hbm>>
    tpu.enqueue_dma source(%dma_start3A_34 : memref<8192xf32, #tpu.memory_space<hbm>>) target(%arg7 : memref<8192xf32, #tpu.memory_space<vmem>>) target_semaphore(%arg13 : memref<!tpu.dma_semaphore, #tpu.memory_space<semaphore_mem>>)
    %add3A_35 = arith.constant 1 : i32
    %add3A_36 = arith.addi %mul3A_5, %add3A_35 : i32
    %dma_start3A_37 = arith.constant 1 : i32
    %dma_start3A_38 = arith.constant 0 : i32
    %dma_start3A_39 = tpu.memref_slice %arg2[%dma_start3A_37, %add3A_36, %dma_start3A_38] : memref<3x64x8192xf32, #tpu.memory_space<hbm>> -> memref<1x1x8192xf32, #tpu.memory_space<hbm>>
    %dma_start3A_40 = tpu.memref_squeeze %dma_start3A_39 : memref<1x1x8192xf32, #tpu.memory_space<hbm>> -> memref<8192xf32, #tpu.memory_space<hbm>>
    %dma_start3A_41 = arith.constant 0 : i32
    %dma_start3A_42 = tpu.memref_slice %arg2[%dma_start3A_37, %add3A_36, %dma_start3A_41] : memref<3x64x8192xf32, #tpu.memory_space<hbm>> -> memref<1x1x8192xf32, #tpu.memory_space<hbm>>
    %dma_start3A_43 = tpu.memref_squeeze %dma_start3A_42 : memref<1x1x8192xf32, #tpu.memory_space<hbm>> -> memref<8192xf32, #tpu.memory_space<hbm>>
    tpu.enqueue_dma source(%dma_start3A_43 : memref<8192xf32, #tpu.memory_space<hbm>>) target(%arg8 : memref<8192xf32, #tpu.memory_space<vmem>>) target_semaphore(%arg13 : memref<!tpu.dma_semaphore, #tpu.memory_space<semaphore_mem>>)
    %add3A_44 = arith.constant 1 : i32
    %add3A_45 = arith.addi %mul3A_5, %add3A_44 : i32
    %dma_start3A_46 = arith.constant 2 : i32
    %dma_start3A_47 = arith.constant 0 : i32
    %dma_start3A_48 = tpu.memref_slice %arg2[%dma_start3A_46, %add3A_45, %dma_start3A_47] : memref<3x64x8192xf32, #tpu.memory_space<hbm>> -> memref<1x1x8192xf32, #tpu.memory_space<hbm>>
    %dma_start3A_49 = tpu.memref_squeeze %dma_start3A_48 : memref<1x1x8192xf32, #tpu.memory_space<hbm>> -> memref<8192xf32, #tpu.memory_space<hbm>>
    %dma_start3A_50 = arith.constant 0 : i32
    %dma_start3A_51 = tpu.memref_slice %arg2[%dma_start3A_46, %add3A_45, %dma_start3A_50] : memref<3x64x8192xf32, #tpu.memory_space<hbm>> -> memref<1x1x8192xf32, #tpu.memory_space<hbm>>
    %dma_start3A_52 = tpu.memref_squeeze %dma_start3A_51 : memref<1x1x8192xf32, #tpu.memory_space<hbm>> -> memref<8192xf32, #tpu.memory_space<hbm>>
    tpu.enqueue_dma source(%dma_start3A_52 : memref<8192xf32, #tpu.memory_space<hbm>>) target(%arg9 : memref<8192xf32, #tpu.memory_space<vmem>>) target_semaphore(%arg13 : memref<!tpu.dma_semaphore, #tpu.memory_space<semaphore_mem>>)
    %parallel_loop3A = arith.constant 0 : i32
    %parallel_loop3A_53 = arith.constant 2048 : i32
    %parallel_loop3A_54 = arith.constant 1 : i32
    scf.for %parallel_loop3A_130 = %parallel_loop3A to %parallel_loop3A_53 step %parallel_loop3A_54  : i32 {
      %parallel_loop3A_131 = arith.constant 16 : i32
      %parallel_loop3A_132 = arith.muli %parallel_loop3A_130, %parallel_loop3A_131 : i32
      %parallel_loop3A_133 = arith.index_cast %parallel_loop3A_132 : i32 to index
      %parallel_loop3A_134 = tpu.vector_load %arg10[%parallel_loop3A_133] {strides = array<i32>} : memref<32768xf32, #tpu.memory_space<vmem>>, vector<16xf32>,
      tpu.vector_store %arg10[%parallel_loop3A_133], %broadcast_in_dim3A_1 {strides = array<i32>} : memref<32768xf32, #tpu.memory_space<vmem>>, vector<16xf32>,
    } {sc.loop_unroll_factor = 4 : i64, sc.parallel_access}
    %dma_wait3A = arith.constant 0 : i32
    %dma_wait3A_55 = arith.constant 0 : i32
    %dma_wait3A_56 = tpu.memref_slice %arg2[%dma_wait3A, %mul3A_5, %dma_wait3A_55] : memref<3x64x8192xf32, #tpu.memory_space<hbm>> -> memref<1x1x8192xf32, #tpu.memory_space<hbm>>
    %dma_wait3A_57 = tpu.memref_squeeze %dma_wait3A_56 : memref<1x1x8192xf32, #tpu.memory_space<hbm>> -> memref<8192xf32, #tpu.memory_space<hbm>>
    %dma_wait3A_58 = arith.constant 0 : i32
    %dma_wait3A_59 = tpu.memref_slice %arg2[%dma_wait3A, %mul3A_5, %dma_wait3A_58] : memref<3x64x8192xf32, #tpu.memory_space<hbm>> -> memref<1x1x8192xf32, #tpu.memory_space<hbm>>
    %dma_wait3A_60 = tpu.memref_squeeze %dma_wait3A_59 : memref<1x1x8192xf32, #tpu.memory_space<hbm>> -> memref<8192xf32, #tpu.memory_space<hbm>>
    tpu.wait_dma2 semaphore(%arg12 : memref<!tpu.dma_semaphore, #tpu.memory_space<semaphore_mem>>) src(%dma_wait3A_60 : memref<8192xf32, #tpu.memory_space<hbm>>) dst(%arg4 : memref<8192xf32, #tpu.memory_space<vmem>>)
    %dma_wait3A_61 = arith.constant 1 : i32
    %dma_wait3A_62 = arith.constant 0 : i32
    %dma_wait3A_63 = tpu.memref_slice %arg2[%dma_wait3A_61, %mul3A_5, %dma_wait3A_62] : memref<3x64x8192xf32, #tpu.memory_space<hbm>> -> memref<1x1x8192xf32, #tpu.memory_space<hbm>>
    %dma_wait3A_64 = tpu.memref_squeeze %dma_wait3A_63 : memref<1x1x8192xf32, #tpu.memory_space<hbm>> -> memref<8192xf32, #tpu.memory_space<hbm>>
    %dma_wait3A_65 = arith.constant 0 : i32
    %dma_wait3A_66 = tpu.memref_slice %arg2[%dma_wait3A_61, %mul3A_5, %dma_wait3A_65] : memref<3x64x8192xf32, #tpu.memory_space<hbm>> -> memref<1x1x8192xf32, #tpu.memory_space<hbm>>
    %dma_wait3A_67 = tpu.memref_squeeze %dma_wait3A_66 : memref<1x1x8192xf32, #tpu.memory_space<hbm>> -> memref<8192xf32, #tpu.memory_space<hbm>>
    tpu.wait_dma2 semaphore(%arg12 : memref<!tpu.dma_semaphore, #tpu.memory_space<semaphore_mem>>) src(%dma_wait3A_67 : memref<8192xf32, #tpu.memory_space<hbm>>) dst(%arg5 : memref<8192xf32, #tpu.memory_space<vmem>>)
    %dma_wait3A_68 = arith.constant 2 : i32
    %dma_wait3A_69 = arith.constant 0 : i32
    %dma_wait3A_70 = tpu.memref_slice %arg2[%dma_wait3A_68, %mul3A_5, %dma_wait3A_69] : memref<3x64x8192xf32, #tpu.memory_space<hbm>> -> memref<1x1x8192xf32, #tpu.memory_space<hbm>>
    %dma_wait3A_71 = tpu.memref_squeeze %dma_wait3A_70 : memref<1x1x8192xf32, #tpu.memory_space<hbm>> -> memref<8192xf32, #tpu.memory_space<hbm>>
    %dma_wait3A_72 = arith.constant 0 : i32
    %dma_wait3A_73 = tpu.memref_slice %arg2[%dma_wait3A_68, %mul3A_5, %dma_wait3A_72] : memref<3x64x8192xf32, #tpu.memory_space<hbm>> -> memref<1x1x8192xf32, #tpu.memory_space<hbm>>
    %dma_wait3A_74 = tpu.memref_squeeze %dma_wait3A_73 : memref<1x1x8192xf32, #tpu.memory_space<hbm>> -> memref<8192xf32, #tpu.memory_space<hbm>>
    tpu.wait_dma2 semaphore(%arg12 : memref<!tpu.dma_semaphore, #tpu.memory_space<semaphore_mem>>) src(%dma_wait3A_74 : memref<8192xf32, #tpu.memory_space<hbm>>) dst(%arg6 : memref<8192xf32, #tpu.memory_space<vmem>>)
    %parallel_loop3A_75 = arith.constant 0 : i32
    %parallel_loop3A_76 = arith.constant 512 : i32
    %parallel_loop3A_77 = arith.constant 1 : i32
    %parallel_loop3A_78 = arith.constant 1.550000e+01 : f32
    scf.for %parallel_loop3A_130 = %parallel_loop3A_75 to %parallel_loop3A_76 step %parallel_loop3A_77  : i32 {
      %parallel_loop3A_131 = arith.constant 16 : i32
      %parallel_loop3A_132 = arith.muli %parallel_loop3A_130, %parallel_loop3A_131 : i32
      %parallel_loop3A_133 = arith.constant 4 : i32
      %parallel_loop3A_134 = arith.muli %parallel_loop3A_130, %parallel_loop3A_133 : i32
      %parallel_loop3A_135 = arith.constant 0 : i32
      %parallel_loop3A_136 = arith.addi %parallel_loop3A_134, %parallel_loop3A_135 : i32
      %parallel_loop3A_137 = arith.constant 16 : i32
      %parallel_loop3A_138 = arith.muli %parallel_loop3A_136, %parallel_loop3A_137 : i32
      %parallel_loop3A_139 = arith.index_cast %parallel_loop3A_138 : i32 to index
      %parallel_loop3A_140 = tpu.vector_load %arg11[%parallel_loop3A_139] {strides = array<i32>} : memref<32768xf32, #tpu.memory_space<vmem>>, vector<16xf32>,
      tpu.vector_store %arg11[%parallel_loop3A_139], %broadcast_in_dim3A_1 {strides = array<i32>} : memref<32768xf32, #tpu.memory_space<vmem>>, vector<16xf32>,
      %parallel_loop3A_141 = arith.constant 4 : i32
      %parallel_loop3A_142 = arith.muli %parallel_loop3A_130, %parallel_loop3A_141 : i32
      %parallel_loop3A_143 = arith.constant 1 : i32
      %parallel_loop3A_144 = arith.addi %parallel_loop3A_142, %parallel_loop3A_143 : i32
      %parallel_loop3A_145 = arith.constant 16 : i32
      %parallel_loop3A_146 = arith.muli %parallel_loop3A_144, %parallel_loop3A_145 : i32
      %parallel_loop3A_147 = arith.index_cast %parallel_loop3A_146 : i32 to index
      %parallel_loop3A_148 = tpu.vector_load %arg11[%parallel_loop3A_147] {strides = array<i32>} : memref<32768xf32, #tpu.memory_space<vmem>>, vector<16xf32>,
      tpu.vector_store %arg11[%parallel_loop3A_147], %broadcast_in_dim3A_1 {strides = array<i32>} : memref<32768xf32, #tpu.memory_space<vmem>>, vector<16xf32>,
      %parallel_loop3A_149 = arith.constant 4 : i32
      %parallel_loop3A_150 = arith.muli %parallel_loop3A_130, %parallel_loop3A_149 : i32
      %parallel_loop3A_151 = arith.constant 2 : i32
      %parallel_loop3A_152 = arith.addi %parallel_loop3A_150, %parallel_loop3A_151 : i32
      %parallel_loop3A_153 = arith.constant 16 : i32
      %parallel_loop3A_154 = arith.muli %parallel_loop3A_152, %parallel_loop3A_153 : i32
      %parallel_loop3A_155 = arith.index_cast %parallel_loop3A_154 : i32 to index
      %parallel_loop3A_156 = tpu.vector_load %arg11[%parallel_loop3A_155] {strides = array<i32>} : memref<32768xf32, #tpu.memory_space<vmem>>, vector<16xf32>,
      tpu.vector_store %arg11[%parallel_loop3A_155], %broadcast_in_dim3A_1 {strides = array<i32>} : memref<32768xf32, #tpu.memory_space<vmem>>, vector<16xf32>,
      %parallel_loop3A_157 = arith.constant 4 : i32
      %parallel_loop3A_158 = arith.muli %parallel_loop3A_130, %parallel_loop3A_157 : i32
      %parallel_loop3A_159 = arith.constant 3 : i32
      %parallel_loop3A_160 = arith.addi %parallel_loop3A_158, %parallel_loop3A_159 : i32
      %parallel_loop3A_161 = arith.constant 16 : i32
      %parallel_loop3A_162 = arith.muli %parallel_loop3A_160, %parallel_loop3A_161 : i32
      %parallel_loop3A_163 = arith.index_cast %parallel_loop3A_162 : i32 to index
      %parallel_loop3A_164 = tpu.vector_load %arg11[%parallel_loop3A_163] {strides = array<i32>} : memref<32768xf32, #tpu.memory_space<vmem>>, vector<16xf32>,
      tpu.vector_store %arg11[%parallel_loop3A_163], %broadcast_in_dim3A_1 {strides = array<i32>} : memref<32768xf32, #tpu.memory_space<vmem>>, vector<16xf32>,
      %parallel_loop3A_165 = arith.index_cast %parallel_loop3A_132 : i32 to index
      %parallel_loop3A_166 = tpu.vector_load %arg4[%parallel_loop3A_165] {strides = array<i32>} : memref<8192xf32, #tpu.memory_space<vmem>>, vector<16xf32>,
      %parallel_loop3A_167 = vector.broadcast %parallel_loop3A_78 : f32 to vector<16xf32>
      %parallel_loop3A_168 = arith.mulf %parallel_loop3A_166, %parallel_loop3A_167 : vector<16xf32>
      %parallel_loop3A_169 = vector.broadcast %parallel_loop3A_78 : f32 to vector<16xf32>
      %parallel_loop3A_170 = arith.addf %parallel_loop3A_168, %parallel_loop3A_169 : vector<16xf32>
      %parallel_loop3A_171 = arith.fptosi %parallel_loop3A_170 : vector<16xf32> to vector<16xi32>
      %parallel_loop3A_172 = arith.constant 1024 : i32
      %parallel_loop3A_173 = vector.broadcast %parallel_loop3A_172 : i32 to vector<16xi32>
      %parallel_loop3A_174 = arith.muli %parallel_loop3A_171, %parallel_loop3A_173 : vector<16xi32>
      %parallel_loop3A_175 = arith.index_cast %parallel_loop3A_132 : i32 to index
      %parallel_loop3A_176 = tpu.vector_load %arg5[%parallel_loop3A_175] {strides = array<i32>} : memref<8192xf32, #tpu.memory_space<vmem>>, vector<16xf32>,
      %parallel_loop3A_177 = vector.broadcast %parallel_loop3A_78 : f32 to vector<16xf32>
      %parallel_loop3A_178 = arith.mulf %parallel_loop3A_176, %parallel_loop3A_177 : vector<16xf32>
      %parallel_loop3A_179 = vector.broadcast %parallel_loop3A_78 : f32 to vector<16xf32>
      %parallel_loop3A_180 = arith.addf %parallel_loop3A_178, %parallel_loop3A_179 : vector<16xf32>
      %parallel_loop3A_181 = arith.fptosi %parallel_loop3A_180 : vector<16xf32> to vector<16xi32>
      %parallel_loop3A_182 = arith.constant 32 : i32
      %parallel_loop3A_183 = vector.broadcast %parallel_loop3A_182 : i32 to vector<16xi32>
      %parallel_loop3A_184 = arith.muli %parallel_loop3A_181, %parallel_loop3A_183 : vector<16xi32>
      %parallel_loop3A_185 = arith.addi %parallel_loop3A_174, %parallel_loop3A_184 : vector<16xi32>
      %parallel_loop3A_186 = arith.index_cast %parallel_loop3A_132 : i32 to index
      %parallel_loop3A_187 = tpu.vector_load %arg6[%parallel_loop3A_186] {strides = array<i32>} : memref<8192xf32, #tpu.memory_space<vmem>>, vector<16xf32>,
      %parallel_loop3A_188 = vector.broadcast %parallel_loop3A_78 : f32 to vector<16xf32>
      %parallel_loop3A_189 = arith.mulf %parallel_loop3A_187, %parallel_loop3A_188 : vector<16xf32>
      %parallel_loop3A_190 = vector.broadcast %parallel_loop3A_78 : f32 to vector<16xf32>
      %parallel_loop3A_191 = arith.addf %parallel_loop3A_189, %parallel_loop3A_190 : vector<16xf32>
      %parallel_loop3A_192 = arith.fptosi %parallel_loop3A_191 : vector<16xf32> to vector<16xi32>
      %parallel_loop3A_193 = arith.addi %parallel_loop3A_185, %parallel_loop3A_192 : vector<16xi32>
      tpu.vector_store_idx %arg10[%parallel_loop3A_193], %broadcast_in_dim3A_3 : memref<32768xf32, #tpu.memory_space<vmem>>[vector<16xi32>], vector<16xf32>,
    } {sc.loop_unroll_factor = 4 : i64, sc.parallel_access}
    %dma_start3A_79 = arith.constant 0 : i32
    %dma_start3A_80 = tpu.memref_slice %arg3[%mul3A_5, %dma_start3A_79] : memref<64x32768xf32, #tpu.memory_space<hbm>> -> memref<1x32768xf32, #tpu.memory_space<hbm>>
    %dma_start3A_81 = tpu.memref_squeeze %dma_start3A_80 : memref<1x32768xf32, #tpu.memory_space<hbm>> -> memref<32768xf32, #tpu.memory_space<hbm>>
    %dma_start3A_82 = arith.constant 0 : i32
    %dma_start3A_83 = tpu.memref_slice %arg3[%mul3A_5, %dma_start3A_82] : memref<64x32768xf32, #tpu.memory_space<hbm>> -> memref<1x32768xf32, #tpu.memory_space<hbm>>
    %dma_start3A_84 = tpu.memref_squeeze %dma_start3A_83 : memref<1x32768xf32, #tpu.memory_space<hbm>> -> memref<32768xf32, #tpu.memory_space<hbm>>
    tpu.enqueue_dma source(%arg10 : memref<32768xf32, #tpu.memory_space<vmem>>) target(%dma_start3A_84 : memref<32768xf32, #tpu.memory_space<hbm>>) target_semaphore(%arg14 : memref<!tpu.dma_semaphore, #tpu.memory_space<semaphore_mem>>)
    %dma_wait3A_85 = arith.constant 0 : i32
    %dma_wait3A_86 = arith.constant 0 : i32
    %dma_wait3A_87 = tpu.memref_slice %arg2[%dma_wait3A_85, %add3A_27, %dma_wait3A_86] : memref<3x64x8192xf32, #tpu.memory_space<hbm>> -> memref<1x1x8192xf32, #tpu.memory_space<hbm>>
    %dma_wait3A_88 = tpu.memref_squeeze %dma_wait3A_87 : memref<1x1x8192xf32, #tpu.memory_space<hbm>> -> memref<8192xf32, #tpu.memory_space<hbm>>
    %dma_wait3A_89 = arith.constant 0 : i32
    %dma_wait3A_90 = tpu.memref_slice %arg2[%dma_wait3A_85, %add3A_27, %dma_wait3A_89] : memref<3x64x8192xf32, #tpu.memory_space<hbm>> -> memref<1x1x8192xf32, #tpu.memory_space<hbm>>
    %dma_wait3A_91 = tpu.memref_squeeze %dma_wait3A_90 : memref<1x1x8192xf32, #tpu.memory_space<hbm>> -> memref<8192xf32, #tpu.memory_space<hbm>>
    tpu.wait_dma2 semaphore(%arg13 : memref<!tpu.dma_semaphore, #tpu.memory_space<semaphore_mem>>) src(%dma_wait3A_91 : memref<8192xf32, #tpu.memory_space<hbm>>) dst(%arg7 : memref<8192xf32, #tpu.memory_space<vmem>>)
    %dma_wait3A_92 = arith.constant 1 : i32
    %dma_wait3A_93 = arith.constant 0 : i32
    %dma_wait3A_94 = tpu.memref_slice %arg2[%dma_wait3A_92, %add3A_36, %dma_wait3A_93] : memref<3x64x8192xf32, #tpu.memory_space<hbm>> -> memref<1x1x8192xf32, #tpu.memory_space<hbm>>
    %dma_wait3A_95 = tpu.memref_squeeze %dma_wait3A_94 : memref<1x1x8192xf32, #tpu.memory_space<hbm>> -> memref<8192xf32, #tpu.memory_space<hbm>>
    %dma_wait3A_96 = arith.constant 0 : i32
    %dma_wait3A_97 = tpu.memref_slice %arg2[%dma_wait3A_92, %add3A_36, %dma_wait3A_96] : memref<3x64x8192xf32, #tpu.memory_space<hbm>> -> memref<1x1x8192xf32, #tpu.memory_space<hbm>>
    %dma_wait3A_98 = tpu.memref_squeeze %dma_wait3A_97 : memref<1x1x8192xf32, #tpu.memory_space<hbm>> -> memref<8192xf32, #tpu.memory_space<hbm>>
    tpu.wait_dma2 semaphore(%arg13 : memref<!tpu.dma_semaphore, #tpu.memory_space<semaphore_mem>>) src(%dma_wait3A_98 : memref<8192xf32, #tpu.memory_space<hbm>>) dst(%arg8 : memref<8192xf32, #tpu.memory_space<vmem>>)
    %dma_wait3A_99 = arith.constant 2 : i32
    %dma_wait3A_100 = arith.constant 0 : i32
    %dma_wait3A_101 = tpu.memref_slice %arg2[%dma_wait3A_99, %add3A_45, %dma_wait3A_100] : memref<3x64x8192xf32, #tpu.memory_space<hbm>> -> memref<1x1x8192xf32, #tpu.memory_space<hbm>>
    %dma_wait3A_102 = tpu.memref_squeeze %dma_wait3A_101 : memref<1x1x8192xf32, #tpu.memory_space<hbm>> -> memref<8192xf32, #tpu.memory_space<hbm>>
    %dma_wait3A_103 = arith.constant 0 : i32
    %dma_wait3A_104 = tpu.memref_slice %arg2[%dma_wait3A_99, %add3A_45, %dma_wait3A_103] : memref<3x64x8192xf32, #tpu.memory_space<hbm>> -> memref<1x1x8192xf32, #tpu.memory_space<hbm>>
    %dma_wait3A_105 = tpu.memref_squeeze %dma_wait3A_104 : memref<1x1x8192xf32, #tpu.memory_space<hbm>> -> memref<8192xf32, #tpu.memory_space<hbm>>
    tpu.wait_dma2 semaphore(%arg13 : memref<!tpu.dma_semaphore, #tpu.memory_space<semaphore_mem>>) src(%dma_wait3A_105 : memref<8192xf32, #tpu.memory_space<hbm>>) dst(%arg9 : memref<8192xf32, #tpu.memory_space<vmem>>)
    %parallel_loop3A_106 = arith.constant 0 : i32
    %parallel_loop3A_107 = arith.constant 512 : i32
    %parallel_loop3A_108 = arith.constant 1 : i32
    %parallel_loop3A_109 = arith.constant 1.550000e+01 : f32
    scf.for %parallel_loop3A_130 = %parallel_loop3A_106 to %parallel_loop3A_107 step %parallel_loop3A_108  : i32 {
      %parallel_loop3A_131 = arith.constant 16 : i32
      %parallel_loop3A_132 = arith.muli %parallel_loop3A_130, %parallel_loop3A_131 : i32
      %parallel_loop3A_133 = arith.index_cast %parallel_loop3A_132 : i32 to index
      %parallel_loop3A_134 = tpu.vector_load %arg7[%parallel_loop3A_133] {strides = array<i32>} : memref<8192xf32, #tpu.memory_space<vmem>>, vector<16xf32>,
      %parallel_loop3A_135 = vector.broadcast %parallel_loop3A_109 : f32 to vector<16xf32>
      %parallel_loop3A_136 = arith.mulf %parallel_loop3A_134, %parallel_loop3A_135 : vector<16xf32>
      %parallel_loop3A_137 = vector.broadcast %parallel_loop3A_109 : f32 to vector<16xf32>
      %parallel_loop3A_138 = arith.addf %parallel_loop3A_136, %parallel_loop3A_137 : vector<16xf32>
      %parallel_loop3A_139 = arith.fptosi %parallel_loop3A_138 : vector<16xf32> to vector<16xi32>
      %parallel_loop3A_140 = arith.constant 1024 : i32
      %parallel_loop3A_141 = vector.broadcast %parallel_loop3A_140 : i32 to vector<16xi32>
      %parallel_loop3A_142 = arith.muli %parallel_loop3A_139, %parallel_loop3A_141 : vector<16xi32>
      %parallel_loop3A_143 = arith.index_cast %parallel_loop3A_132 : i32 to index
      %parallel_loop3A_144 = tpu.vector_load %arg8[%parallel_loop3A_143] {strides = array<i32>} : memref<8192xf32, #tpu.memory_space<vmem>>, vector<16xf32>,
      %parallel_loop3A_145 = vector.broadcast %parallel_loop3A_109 : f32 to vector<16xf32>
      %parallel_loop3A_146 = arith.mulf %parallel_loop3A_144, %parallel_loop3A_145 : vector<16xf32>
      %parallel_loop3A_147 = vector.broadcast %parallel_loop3A_109 : f32 to vector<16xf32>
      %parallel_loop3A_148 = arith.addf %parallel_loop3A_146, %parallel_loop3A_147 : vector<16xf32>
      %parallel_loop3A_149 = arith.fptosi %parallel_loop3A_148 : vector<16xf32> to vector<16xi32>
      %parallel_loop3A_150 = arith.constant 32 : i32
      %parallel_loop3A_151 = vector.broadcast %parallel_loop3A_150 : i32 to vector<16xi32>
      %parallel_loop3A_152 = arith.muli %parallel_loop3A_149, %parallel_loop3A_151 : vector<16xi32>
      %parallel_loop3A_153 = arith.addi %parallel_loop3A_142, %parallel_loop3A_152 : vector<16xi32>
      %parallel_loop3A_154 = arith.index_cast %parallel_loop3A_132 : i32 to index
      %parallel_loop3A_155 = tpu.vector_load %arg9[%parallel_loop3A_154] {strides = array<i32>} : memref<8192xf32, #tpu.memory_space<vmem>>, vector<16xf32>,
      %parallel_loop3A_156 = vector.broadcast %parallel_loop3A_109 : f32 to vector<16xf32>
      %parallel_loop3A_157 = arith.mulf %parallel_loop3A_155, %parallel_loop3A_156 : vector<16xf32>
      %parallel_loop3A_158 = vector.broadcast %parallel_loop3A_109 : f32 to vector<16xf32>
      %parallel_loop3A_159 = arith.addf %parallel_loop3A_157, %parallel_loop3A_158 : vector<16xf32>
      %parallel_loop3A_160 = arith.fptosi %parallel_loop3A_159 : vector<16xf32> to vector<16xi32>
      %parallel_loop3A_161 = arith.addi %parallel_loop3A_153, %parallel_loop3A_160 : vector<16xi32>
      tpu.vector_store_idx %arg11[%parallel_loop3A_161], %broadcast_in_dim3A_3 : memref<32768xf32, #tpu.memory_space<vmem>>[vector<16xi32>], vector<16xf32>,
    } {sc.loop_unroll_factor = 4 : i64, sc.parallel_access}
    %add3A_110 = arith.constant 1 : i32
    %add3A_111 = arith.addi %mul3A_5, %add3A_110 : i32
    %dma_start3A_112 = arith.constant 0 : i32
    %dma_start3A_113 = tpu.memref_slice %arg3[%add3A_111, %dma_start3A_112] : memref<64x32768xf32, #tpu.memory_space<hbm>> -> memref<1x32768xf32, #tpu.memory_space<hbm>>
    %dma_start3A_114 = tpu.memref_squeeze %dma_start3A_113 : memref<1x32768xf32, #tpu.memory_space<hbm>> -> memref<32768xf32, #tpu.memory_space<hbm>>
    %dma_start3A_115 = arith.constant 0 : i32
    %dma_start3A_116 = tpu.memref_slice %arg3[%add3A_111, %dma_start3A_115] : memref<64x32768xf32, #tpu.memory_space<hbm>> -> memref<1x32768xf32, #tpu.memory_space<hbm>>
    %dma_start3A_117 = tpu.memref_squeeze %dma_start3A_116 : memref<1x32768xf32, #tpu.memory_space<hbm>> -> memref<32768xf32, #tpu.memory_space<hbm>>
    tpu.enqueue_dma source(%arg11 : memref<32768xf32, #tpu.memory_space<vmem>>) target(%dma_start3A_117 : memref<32768xf32, #tpu.memory_space<hbm>>) target_semaphore(%arg14 : memref<!tpu.dma_semaphore, #tpu.memory_space<semaphore_mem>>)
    %dma_wait3A_118 = arith.constant 0 : i32
    %dma_wait3A_119 = tpu.memref_slice %arg3[%mul3A_5, %dma_wait3A_118] : memref<64x32768xf32, #tpu.memory_space<hbm>> -> memref<1x32768xf32, #tpu.memory_space<hbm>>
    %dma_wait3A_120 = tpu.memref_squeeze %dma_wait3A_119 : memref<1x32768xf32, #tpu.memory_space<hbm>> -> memref<32768xf32, #tpu.memory_space<hbm>>
    %dma_wait3A_121 = arith.constant 0 : i32
    %dma_wait3A_122 = tpu.memref_slice %arg3[%mul3A_5, %dma_wait3A_121] : memref<64x32768xf32, #tpu.memory_space<hbm>> -> memref<1x32768xf32, #tpu.memory_space<hbm>>
    %dma_wait3A_123 = tpu.memref_squeeze %dma_wait3A_122 : memref<1x32768xf32, #tpu.memory_space<hbm>> -> memref<32768xf32, #tpu.memory_space<hbm>>
    tpu.wait_dma2 semaphore(%arg14 : memref<!tpu.dma_semaphore, #tpu.memory_space<semaphore_mem>>) src(%arg10 : memref<32768xf32, #tpu.memory_space<vmem>>) dst(%dma_wait3A_123 : memref<32768xf32, #tpu.memory_space<hbm>>)
    %dma_wait3A_124 = arith.constant 0 : i32
    %dma_wait3A_125 = tpu.memref_slice %arg3[%add3A_111, %dma_wait3A_124] : memref<64x32768xf32, #tpu.memory_space<hbm>> -> memref<1x32768xf32, #tpu.memory_space<hbm>>
    %dma_wait3A_126 = tpu.memref_squeeze %dma_wait3A_125 : memref<1x32768xf32, #tpu.memory_space<hbm>> -> memref<32768xf32, #tpu.memory_space<hbm>>
    %dma_wait3A_127 = arith.constant 0 : i32
    %dma_wait3A_128 = tpu.memref_slice %arg3[%add3A_111, %dma_wait3A_127] : memref<64x32768xf32, #tpu.memory_space<hbm>> -> memref<1x32768xf32, #tpu.memory_space<hbm>>
    %dma_wait3A_129 = tpu.memref_squeeze %dma_wait3A_128 : memref<1x32768xf32, #tpu.memory_space<hbm>> -> memref<32768xf32, #tpu.memory_space<hbm>>
    tpu.wait_dma2 semaphore(%arg14 : memref<!tpu.dma_semaphore, #tpu.memory_space<semaphore_mem>>) src(%arg11 : memref<32768xf32, #tpu.memory_space<vmem>>) dst(%dma_wait3A_129 : memref<32768xf32, #tpu.memory_space<hbm>>)
    return
  }
}

module attributes {stable_mosaic.version = 14 : i64} {
  func.func @_trace_body(%arg0: i32, %arg1: memref<64x32768xf32, #tpu.memory_space<any>>, %arg2: memref<2048x128xbf16, #tpu.memory_space<vmem>>, %arg3: memref<1x1xf32, #tpu.memory_space<smem>>, %arg4: memref<1x1xf32, #tpu.memory_space<smem>>, %arg5: memref<64x32768xf32, #tpu.memory_space<vmem>>, %arg6: memref<8x!tpu.dma_semaphore, #tpu.memory_space<semaphore_mem>>) attributes {dimension_semantics = [#tpu.dimension_semantics<arbitrary>], iteration_bounds = array<i64: 8>, scalar_prefetch = 0 : i64, scratch_operands = 2 : i64, tpu.core_type = #tpu.core_type<tc>, window_params = [{}, {transform_indices = @transform_1, window_bounds = array<i64: 2048, 128>}, {transform_indices = @transform_2, window_bounds = array<i64: 1, 1>}, {transform_indices = @transform_3, window_bounds = array<i64: 1, 1>}]} {
    %eq3A = arith.constant 0 : i32
    %eq3A_0 = arith.cmpi eq, %arg0, %eq3A : i32
    %convert_element_type3A = arith.extui %eq3A_0 : i1 to i32
    %cond3A = arith.constant 0 : i32
    %cond3A_1 = arith.cmpi ne, %convert_element_type3A, %cond3A : i32
    scf.if %cond3A_1 {
      %dma_start3A = arith.constant 0 : i32
      %dma_start3A_59 = tpu.memref_slice %arg6[%dma_start3A] : memref<8x!tpu.dma_semaphore, #tpu.memory_space<semaphore_mem>> -> memref<1x!tpu.dma_semaphore, #tpu.memory_space<semaphore_mem>>
      %dma_start3A_60 = tpu.memref_squeeze %dma_start3A_59 : memref<1x!tpu.dma_semaphore, #tpu.memory_space<semaphore_mem>> -> memref<!tpu.dma_semaphore, #tpu.memory_space<semaphore_mem>>
      %dma_start3A_61 = arith.constant 0 : i32
      %dma_start3A_62 = arith.constant 0 : i32
      %dma_start3A_63 = tpu.memref_slice %arg5[%dma_start3A_61, %dma_start3A_62] : memref<64x32768xf32, #tpu.memory_space<vmem>> -> memref<32x4096xf32, #tpu.memory_space<vmem>>
      %dma_start3A_64 = arith.constant 0 : i32
      %dma_start3A_65 = arith.constant 0 : i32
      %dma_start3A_66 = tpu.memref_slice %arg1[%dma_start3A_64, %dma_start3A_65] : memref<64x32768xf32, #tpu.memory_space<any>> -> memref<32x4096xf32, #tpu.memory_space<any>>
      tpu.enqueue_dma source(%dma_start3A_66 : memref<32x4096xf32, #tpu.memory_space<any>>) target(%dma_start3A_63 : memref<32x4096xf32, #tpu.memory_space<vmem>>) target_semaphore(%dma_start3A_60 : memref<!tpu.dma_semaphore, #tpu.memory_space<semaphore_mem>>)
      %dma_start3A_67 = arith.constant 0 : i32
      %dma_start3A_68 = tpu.memref_slice %arg6[%dma_start3A_67] : memref<8x!tpu.dma_semaphore, #tpu.memory_space<semaphore_mem>> -> memref<1x!tpu.dma_semaphore, #tpu.memory_space<semaphore_mem>>
      %dma_start3A_69 = tpu.memref_squeeze %dma_start3A_68 : memref<1x!tpu.dma_semaphore, #tpu.memory_space<semaphore_mem>> -> memref<!tpu.dma_semaphore, #tpu.memory_space<semaphore_mem>>
      %dma_start3A_70 = arith.constant 32 : i32
      %dma_start3A_71 = arith.constant 0 : i32
      %dma_start3A_72 = tpu.memref_slice %arg5[%dma_start3A_70, %dma_start3A_71] : memref<64x32768xf32, #tpu.memory_space<vmem>> -> memref<32x4096xf32, #tpu.memory_space<vmem>>
      %dma_start3A_73 = arith.constant 32 : i32
      %dma_start3A_74 = arith.constant 0 : i32
      %dma_start3A_75 = tpu.memref_slice %arg1[%dma_start3A_73, %dma_start3A_74] : memref<64x32768xf32, #tpu.memory_space<any>> -> memref<32x4096xf32, #tpu.memory_space<any>>
      tpu.enqueue_dma source(%dma_start3A_75 : memref<32x4096xf32, #tpu.memory_space<any>>) target(%dma_start3A_72 : memref<32x4096xf32, #tpu.memory_space<vmem>>) target_semaphore(%dma_start3A_69 : memref<!tpu.dma_semaphore, #tpu.memory_space<semaphore_mem>>)
      %dma_start3A_76 = arith.constant 1 : i32
      %dma_start3A_77 = tpu.memref_slice %arg6[%dma_start3A_76] : memref<8x!tpu.dma_semaphore, #tpu.memory_space<semaphore_mem>> -> memref<1x!tpu.dma_semaphore, #tpu.memory_space<semaphore_mem>>
      %dma_start3A_78 = tpu.memref_squeeze %dma_start3A_77 : memref<1x!tpu.dma_semaphore, #tpu.memory_space<semaphore_mem>> -> memref<!tpu.dma_semaphore, #tpu.memory_space<semaphore_mem>>
      %dma_start3A_79 = arith.constant 0 : i32
      %dma_start3A_80 = arith.constant 4096 : i32
      %dma_start3A_81 = tpu.memref_slice %arg5[%dma_start3A_79, %dma_start3A_80] : memref<64x32768xf32, #tpu.memory_space<vmem>> -> memref<32x4096xf32, #tpu.memory_space<vmem>>
      %dma_start3A_82 = arith.constant 0 : i32
      %dma_start3A_83 = arith.constant 4096 : i32
      %dma_start3A_84 = tpu.memref_slice %arg1[%dma_start3A_82, %dma_start3A_83] : memref<64x32768xf32, #tpu.memory_space<any>> -> memref<32x4096xf32, #tpu.memory_space<any>>
      tpu.enqueue_dma source(%dma_start3A_84 : memref<32x4096xf32, #tpu.memory_space<any>>) target(%dma_start3A_81 : memref<32x4096xf32, #tpu.memory_space<vmem>>) target_semaphore(%dma_start3A_78 : memref<!tpu.dma_semaphore, #tpu.memory_space<semaphore_mem>>)
      %dma_start3A_85 = arith.constant 1 : i32
      %dma_start3A_86 = tpu.memref_slice %arg6[%dma_start3A_85] : memref<8x!tpu.dma_semaphore, #tpu.memory_space<semaphore_mem>> -> memref<1x!tpu.dma_semaphore, #tpu.memory_space<semaphore_mem>>
      %dma_start3A_87 = tpu.memref_squeeze %dma_start3A_86 : memref<1x!tpu.dma_semaphore, #tpu.memory_space<semaphore_mem>> -> memref<!tpu.dma_semaphore, #tpu.memory_space<semaphore_mem>>
      %dma_start3A_88 = arith.constant 32 : i32
      %dma_start3A_89 = arith.constant 4096 : i32
      %dma_start3A_90 = tpu.memref_slice %arg5[%dma_start3A_88, %dma_start3A_89] : memref<64x32768xf32, #tpu.memory_space<vmem>> -> memref<32x4096xf32, #tpu.memory_space<vmem>>
      %dma_start3A_91 = arith.constant 32 : i32
      %dma_start3A_92 = arith.constant 4096 : i32
      %dma_start3A_93 = tpu.memref_slice %arg1[%dma_start3A_91, %dma_start3A_92] : memref<64x32768xf32, #tpu.memory_space<any>> -> memref<32x4096xf32, #tpu.memory_space<any>>
      tpu.enqueue_dma source(%dma_start3A_93 : memref<32x4096xf32, #tpu.memory_space<any>>) target(%dma_start3A_90 : memref<32x4096xf32, #tpu.memory_space<vmem>>) target_semaphore(%dma_start3A_87 : memref<!tpu.dma_semaphore, #tpu.memory_space<semaphore_mem>>)
      %dma_start3A_94 = arith.constant 2 : i32
      %dma_start3A_95 = tpu.memref_slice %arg6[%dma_start3A_94] : memref<8x!tpu.dma_semaphore, #tpu.memory_space<semaphore_mem>> -> memref<1x!tpu.dma_semaphore, #tpu.memory_space<semaphore_mem>>
      %dma_start3A_96 = tpu.memref_squeeze %dma_start3A_95 : memref<1x!tpu.dma_semaphore, #tpu.memory_space<semaphore_mem>> -> memref<!tpu.dma_semaphore, #tpu.memory_space<semaphore_mem>>
      %dma_start3A_97 = arith.constant 0 : i32
      %dma_start3A_98 = arith.constant 8192 : i32
      %dma_start3A_99 = tpu.memref_slice %arg5[%dma_start3A_97, %dma_start3A_98] : memref<64x32768xf32, #tpu.memory_space<vmem>> -> memref<32x4096xf32, #tpu.memory_space<vmem>>
      %dma_start3A_100 = arith.constant 0 : i32
      %dma_start3A_101 = arith.constant 8192 : i32
      %dma_start3A_102 = tpu.memref_slice %arg1[%dma_start3A_100, %dma_start3A_101] : memref<64x32768xf32, #tpu.memory_space<any>> -> memref<32x4096xf32, #tpu.memory_space<any>>
      tpu.enqueue_dma source(%dma_start3A_102 : memref<32x4096xf32, #tpu.memory_space<any>>) target(%dma_start3A_99 : memref<32x4096xf32, #tpu.memory_space<vmem>>) target_semaphore(%dma_start3A_96 : memref<!tpu.dma_semaphore, #tpu.memory_space<semaphore_mem>>)
      %dma_start3A_103 = arith.constant 2 : i32
      %dma_start3A_104 = tpu.memref_slice %arg6[%dma_start3A_103] : memref<8x!tpu.dma_semaphore, #tpu.memory_space<semaphore_mem>> -> memref<1x!tpu.dma_semaphore, #tpu.memory_space<semaphore_mem>>
      %dma_start3A_105 = tpu.memref_squeeze %dma_start3A_104 : memref<1x!tpu.dma_semaphore, #tpu.memory_space<semaphore_mem>> -> memref<!tpu.dma_semaphore, #tpu.memory_space<semaphore_mem>>
      %dma_start3A_106 = arith.constant 32 : i32
      %dma_start3A_107 = arith.constant 8192 : i32
      %dma_start3A_108 = tpu.memref_slice %arg5[%dma_start3A_106, %dma_start3A_107] : memref<64x32768xf32, #tpu.memory_space<vmem>> -> memref<32x4096xf32, #tpu.memory_space<vmem>>
      %dma_start3A_109 = arith.constant 32 : i32
      %dma_start3A_110 = arith.constant 8192 : i32
      %dma_start3A_111 = tpu.memref_slice %arg1[%dma_start3A_109, %dma_start3A_110] : memref<64x32768xf32, #tpu.memory_space<any>> -> memref<32x4096xf32, #tpu.memory_space<any>>
      tpu.enqueue_dma source(%dma_start3A_111 : memref<32x4096xf32, #tpu.memory_space<any>>) target(%dma_start3A_108 : memref<32x4096xf32, #tpu.memory_space<vmem>>) target_semaphore(%dma_start3A_105 : memref<!tpu.dma_semaphore, #tpu.memory_space<semaphore_mem>>)
      %dma_start3A_112 = arith.constant 3 : i32
      %dma_start3A_113 = tpu.memref_slice %arg6[%dma_start3A_112] : memref<8x!tpu.dma_semaphore, #tpu.memory_space<semaphore_mem>> -> memref<1x!tpu.dma_semaphore, #tpu.memory_space<semaphore_mem>>
      %dma_start3A_114 = tpu.memref_squeeze %dma_start3A_113 : memref<1x!tpu.dma_semaphore, #tpu.memory_space<semaphore_mem>> -> memref<!tpu.dma_semaphore, #tpu.memory_space<semaphore_mem>>
      %dma_start3A_115 = arith.constant 0 : i32
      %dma_start3A_116 = arith.constant 12288 : i32
      %dma_start3A_117 = tpu.memref_slice %arg5[%dma_start3A_115, %dma_start3A_116] : memref<64x32768xf32, #tpu.memory_space<vmem>> -> memref<32x4096xf32, #tpu.memory_space<vmem>>
      %dma_start3A_118 = arith.constant 0 : i32
      %dma_start3A_119 = arith.constant 12288 : i32
      %dma_start3A_120 = tpu.memref_slice %arg1[%dma_start3A_118, %dma_start3A_119] : memref<64x32768xf32, #tpu.memory_space<any>> -> memref<32x4096xf32, #tpu.memory_space<any>>
      tpu.enqueue_dma source(%dma_start3A_120 : memref<32x4096xf32, #tpu.memory_space<any>>) target(%dma_start3A_117 : memref<32x4096xf32, #tpu.memory_space<vmem>>) target_semaphore(%dma_start3A_114 : memref<!tpu.dma_semaphore, #tpu.memory_space<semaphore_mem>>)
      %dma_start3A_121 = arith.constant 3 : i32
      %dma_start3A_122 = tpu.memref_slice %arg6[%dma_start3A_121] : memref<8x!tpu.dma_semaphore, #tpu.memory_space<semaphore_mem>> -> memref<1x!tpu.dma_semaphore, #tpu.memory_space<semaphore_mem>>
      %dma_start3A_123 = tpu.memref_squeeze %dma_start3A_122 : memref<1x!tpu.dma_semaphore, #tpu.memory_space<semaphore_mem>> -> memref<!tpu.dma_semaphore, #tpu.memory_space<semaphore_mem>>
      %dma_start3A_124 = arith.constant 32 : i32
      %dma_start3A_125 = arith.constant 12288 : i32
      %dma_start3A_126 = tpu.memref_slice %arg5[%dma_start3A_124, %dma_start3A_125] : memref<64x32768xf32, #tpu.memory_space<vmem>> -> memref<32x4096xf32, #tpu.memory_space<vmem>>
      %dma_start3A_127 = arith.constant 32 : i32
      %dma_start3A_128 = arith.constant 12288 : i32
      %dma_start3A_129 = tpu.memref_slice %arg1[%dma_start3A_127, %dma_start3A_128] : memref<64x32768xf32, #tpu.memory_space<any>> -> memref<32x4096xf32, #tpu.memory_space<any>>
      tpu.enqueue_dma source(%dma_start3A_129 : memref<32x4096xf32, #tpu.memory_space<any>>) target(%dma_start3A_126 : memref<32x4096xf32, #tpu.memory_space<vmem>>) target_semaphore(%dma_start3A_123 : memref<!tpu.dma_semaphore, #tpu.memory_space<semaphore_mem>>)
      %dma_start3A_130 = arith.constant 4 : i32
      %dma_start3A_131 = tpu.memref_slice %arg6[%dma_start3A_130] : memref<8x!tpu.dma_semaphore, #tpu.memory_space<semaphore_mem>> -> memref<1x!tpu.dma_semaphore, #tpu.memory_space<semaphore_mem>>
      %dma_start3A_132 = tpu.memref_squeeze %dma_start3A_131 : memref<1x!tpu.dma_semaphore, #tpu.memory_space<semaphore_mem>> -> memref<!tpu.dma_semaphore, #tpu.memory_space<semaphore_mem>>
      %dma_start3A_133 = arith.constant 0 : i32
      %dma_start3A_134 = arith.constant 16384 : i32
      %dma_start3A_135 = tpu.memref_slice %arg5[%dma_start3A_133, %dma_start3A_134] : memref<64x32768xf32, #tpu.memory_space<vmem>> -> memref<32x4096xf32, #tpu.memory_space<vmem>>
      %dma_start3A_136 = arith.constant 0 : i32
      %dma_start3A_137 = arith.constant 16384 : i32
      %dma_start3A_138 = tpu.memref_slice %arg1[%dma_start3A_136, %dma_start3A_137] : memref<64x32768xf32, #tpu.memory_space<any>> -> memref<32x4096xf32, #tpu.memory_space<any>>
      tpu.enqueue_dma source(%dma_start3A_138 : memref<32x4096xf32, #tpu.memory_space<any>>) target(%dma_start3A_135 : memref<32x4096xf32, #tpu.memory_space<vmem>>) target_semaphore(%dma_start3A_132 : memref<!tpu.dma_semaphore, #tpu.memory_space<semaphore_mem>>)
      %dma_start3A_139 = arith.constant 4 : i32
      %dma_start3A_140 = tpu.memref_slice %arg6[%dma_start3A_139] : memref<8x!tpu.dma_semaphore, #tpu.memory_space<semaphore_mem>> -> memref<1x!tpu.dma_semaphore, #tpu.memory_space<semaphore_mem>>
      %dma_start3A_141 = tpu.memref_squeeze %dma_start3A_140 : memref<1x!tpu.dma_semaphore, #tpu.memory_space<semaphore_mem>> -> memref<!tpu.dma_semaphore, #tpu.memory_space<semaphore_mem>>
      %dma_start3A_142 = arith.constant 32 : i32
      %dma_start3A_143 = arith.constant 16384 : i32
      %dma_start3A_144 = tpu.memref_slice %arg5[%dma_start3A_142, %dma_start3A_143] : memref<64x32768xf32, #tpu.memory_space<vmem>> -> memref<32x4096xf32, #tpu.memory_space<vmem>>
      %dma_start3A_145 = arith.constant 32 : i32
      %dma_start3A_146 = arith.constant 16384 : i32
      %dma_start3A_147 = tpu.memref_slice %arg1[%dma_start3A_145, %dma_start3A_146] : memref<64x32768xf32, #tpu.memory_space<any>> -> memref<32x4096xf32, #tpu.memory_space<any>>
      tpu.enqueue_dma source(%dma_start3A_147 : memref<32x4096xf32, #tpu.memory_space<any>>) target(%dma_start3A_144 : memref<32x4096xf32, #tpu.memory_space<vmem>>) target_semaphore(%dma_start3A_141 : memref<!tpu.dma_semaphore, #tpu.memory_space<semaphore_mem>>)
      %dma_start3A_148 = arith.constant 5 : i32
      %dma_start3A_149 = tpu.memref_slice %arg6[%dma_start3A_148] : memref<8x!tpu.dma_semaphore, #tpu.memory_space<semaphore_mem>> -> memref<1x!tpu.dma_semaphore, #tpu.memory_space<semaphore_mem>>
      %dma_start3A_150 = tpu.memref_squeeze %dma_start3A_149 : memref<1x!tpu.dma_semaphore, #tpu.memory_space<semaphore_mem>> -> memref<!tpu.dma_semaphore, #tpu.memory_space<semaphore_mem>>
      %dma_start3A_151 = arith.constant 0 : i32
      %dma_start3A_152 = arith.constant 20480 : i32
      %dma_start3A_153 = tpu.memref_slice %arg5[%dma_start3A_151, %dma_start3A_152] : memref<64x32768xf32, #tpu.memory_space<vmem>> -> memref<32x4096xf32, #tpu.memory_space<vmem>>
      %dma_start3A_154 = arith.constant 0 : i32
      %dma_start3A_155 = arith.constant 20480 : i32
      %dma_start3A_156 = tpu.memref_slice %arg1[%dma_start3A_154, %dma_start3A_155] : memref<64x32768xf32, #tpu.memory_space<any>> -> memref<32x4096xf32, #tpu.memory_space<any>>
      tpu.enqueue_dma source(%dma_start3A_156 : memref<32x4096xf32, #tpu.memory_space<any>>) target(%dma_start3A_153 : memref<32x4096xf32, #tpu.memory_space<vmem>>) target_semaphore(%dma_start3A_150 : memref<!tpu.dma_semaphore, #tpu.memory_space<semaphore_mem>>)
      %dma_start3A_157 = arith.constant 5 : i32
      %dma_start3A_158 = tpu.memref_slice %arg6[%dma_start3A_157] : memref<8x!tpu.dma_semaphore, #tpu.memory_space<semaphore_mem>> -> memref<1x!tpu.dma_semaphore, #tpu.memory_space<semaphore_mem>>
      %dma_start3A_159 = tpu.memref_squeeze %dma_start3A_158 : memref<1x!tpu.dma_semaphore, #tpu.memory_space<semaphore_mem>> -> memref<!tpu.dma_semaphore, #tpu.memory_space<semaphore_mem>>
      %dma_start3A_160 = arith.constant 32 : i32
      %dma_start3A_161 = arith.constant 20480 : i32
      %dma_start3A_162 = tpu.memref_slice %arg5[%dma_start3A_160, %dma_start3A_161] : memref<64x32768xf32, #tpu.memory_space<vmem>> -> memref<32x4096xf32, #tpu.memory_space<vmem>>
      %dma_start3A_163 = arith.constant 32 : i32
      %dma_start3A_164 = arith.constant 20480 : i32
      %dma_start3A_165 = tpu.memref_slice %arg1[%dma_start3A_163, %dma_start3A_164] : memref<64x32768xf32, #tpu.memory_space<any>> -> memref<32x4096xf32, #tpu.memory_space<any>>
      tpu.enqueue_dma source(%dma_start3A_165 : memref<32x4096xf32, #tpu.memory_space<any>>) target(%dma_start3A_162 : memref<32x4096xf32, #tpu.memory_space<vmem>>) target_semaphore(%dma_start3A_159 : memref<!tpu.dma_semaphore, #tpu.memory_space<semaphore_mem>>)
      %dma_start3A_166 = arith.constant 6 : i32
      %dma_start3A_167 = tpu.memref_slice %arg6[%dma_start3A_166] : memref<8x!tpu.dma_semaphore, #tpu.memory_space<semaphore_mem>> -> memref<1x!tpu.dma_semaphore, #tpu.memory_space<semaphore_mem>>
      %dma_start3A_168 = tpu.memref_squeeze %dma_start3A_167 : memref<1x!tpu.dma_semaphore, #tpu.memory_space<semaphore_mem>> -> memref<!tpu.dma_semaphore, #tpu.memory_space<semaphore_mem>>
      %dma_start3A_169 = arith.constant 0 : i32
      %dma_start3A_170 = arith.constant 24576 : i32
      %dma_start3A_171 = tpu.memref_slice %arg5[%dma_start3A_169, %dma_start3A_170] : memref<64x32768xf32, #tpu.memory_space<vmem>> -> memref<32x4096xf32, #tpu.memory_space<vmem>>
      %dma_start3A_172 = arith.constant 0 : i32
      %dma_start3A_173 = arith.constant 24576 : i32
      %dma_start3A_174 = tpu.memref_slice %arg1[%dma_start3A_172, %dma_start3A_173] : memref<64x32768xf32, #tpu.memory_space<any>> -> memref<32x4096xf32, #tpu.memory_space<any>>
      tpu.enqueue_dma source(%dma_start3A_174 : memref<32x4096xf32, #tpu.memory_space<any>>) target(%dma_start3A_171 : memref<32x4096xf32, #tpu.memory_space<vmem>>) target_semaphore(%dma_start3A_168 : memref<!tpu.dma_semaphore, #tpu.memory_space<semaphore_mem>>)
      %dma_start3A_175 = arith.constant 6 : i32
      %dma_start3A_176 = tpu.memref_slice %arg6[%dma_start3A_175] : memref<8x!tpu.dma_semaphore, #tpu.memory_space<semaphore_mem>> -> memref<1x!tpu.dma_semaphore, #tpu.memory_space<semaphore_mem>>
      %dma_start3A_177 = tpu.memref_squeeze %dma_start3A_176 : memref<1x!tpu.dma_semaphore, #tpu.memory_space<semaphore_mem>> -> memref<!tpu.dma_semaphore, #tpu.memory_space<semaphore_mem>>
      %dma_start3A_178 = arith.constant 32 : i32
      %dma_start3A_179 = arith.constant 24576 : i32
      %dma_start3A_180 = tpu.memref_slice %arg5[%dma_start3A_178, %dma_start3A_179] : memref<64x32768xf32, #tpu.memory_space<vmem>> -> memref<32x4096xf32, #tpu.memory_space<vmem>>
      %dma_start3A_181 = arith.constant 32 : i32
      %dma_start3A_182 = arith.constant 24576 : i32
      %dma_start3A_183 = tpu.memref_slice %arg1[%dma_start3A_181, %dma_start3A_182] : memref<64x32768xf32, #tpu.memory_space<any>> -> memref<32x4096xf32, #tpu.memory_space<any>>
      tpu.enqueue_dma source(%dma_start3A_183 : memref<32x4096xf32, #tpu.memory_space<any>>) target(%dma_start3A_180 : memref<32x4096xf32, #tpu.memory_space<vmem>>) target_semaphore(%dma_start3A_177 : memref<!tpu.dma_semaphore, #tpu.memory_space<semaphore_mem>>)
      %dma_start3A_184 = arith.constant 7 : i32
      %dma_start3A_185 = tpu.memref_slice %arg6[%dma_start3A_184] : memref<8x!tpu.dma_semaphore, #tpu.memory_space<semaphore_mem>> -> memref<1x!tpu.dma_semaphore, #tpu.memory_space<semaphore_mem>>
      %dma_start3A_186 = tpu.memref_squeeze %dma_start3A_185 : memref<1x!tpu.dma_semaphore, #tpu.memory_space<semaphore_mem>> -> memref<!tpu.dma_semaphore, #tpu.memory_space<semaphore_mem>>
      %dma_start3A_187 = arith.constant 0 : i32
      %dma_start3A_188 = arith.constant 28672 : i32
      %dma_start3A_189 = tpu.memref_slice %arg5[%dma_start3A_187, %dma_start3A_188] : memref<64x32768xf32, #tpu.memory_space<vmem>> -> memref<32x4096xf32, #tpu.memory_space<vmem>>
      %dma_start3A_190 = arith.constant 0 : i32
      %dma_start3A_191 = arith.constant 28672 : i32
      %dma_start3A_192 = tpu.memref_slice %arg1[%dma_start3A_190, %dma_start3A_191] : memref<64x32768xf32, #tpu.memory_space<any>> -> memref<32x4096xf32, #tpu.memory_space<any>>
      tpu.enqueue_dma source(%dma_start3A_192 : memref<32x4096xf32, #tpu.memory_space<any>>) target(%dma_start3A_189 : memref<32x4096xf32, #tpu.memory_space<vmem>>) target_semaphore(%dma_start3A_186 : memref<!tpu.dma_semaphore, #tpu.memory_space<semaphore_mem>>)
      %dma_start3A_193 = arith.constant 7 : i32
      %dma_start3A_194 = tpu.memref_slice %arg6[%dma_start3A_193] : memref<8x!tpu.dma_semaphore, #tpu.memory_space<semaphore_mem>> -> memref<1x!tpu.dma_semaphore, #tpu.memory_space<semaphore_mem>>
      %dma_start3A_195 = tpu.memref_squeeze %dma_start3A_194 : memref<1x!tpu.dma_semaphore, #tpu.memory_space<semaphore_mem>> -> memref<!tpu.dma_semaphore, #tpu.memory_space<semaphore_mem>>
      %dma_start3A_196 = arith.constant 32 : i32
      %dma_start3A_197 = arith.constant 28672 : i32
      %dma_start3A_198 = tpu.memref_slice %arg5[%dma_start3A_196, %dma_start3A_197] : memref<64x32768xf32, #tpu.memory_space<vmem>> -> memref<32x4096xf32, #tpu.memory_space<vmem>>
      %dma_start3A_199 = arith.constant 32 : i32
      %dma_start3A_200 = arith.constant 28672 : i32
      %dma_start3A_201 = tpu.memref_slice %arg1[%dma_start3A_199, %dma_start3A_200] : memref<64x32768xf32, #tpu.memory_space<any>> -> memref<32x4096xf32, #tpu.memory_space<any>>
      tpu.enqueue_dma source(%dma_start3A_201 : memref<32x4096xf32, #tpu.memory_space<any>>) target(%dma_start3A_198 : memref<32x4096xf32, #tpu.memory_space<vmem>>) target_semaphore(%dma_start3A_195 : memref<!tpu.dma_semaphore, #tpu.memory_space<semaphore_mem>>)
    } else {
    }
    %mul3A = arith.constant 4096 : i32
    %mul3A_2 = arith.muli %arg0, %mul3A : i32
    %mul3A_3 = arith.constant 4096 : i32
    %mul3A_4 = arith.muli %arg0, %mul3A_3 : i32
    %mul3A_5 = arith.constant 4096 : i32
    %mul3A_6 = arith.muli %arg0, %mul3A_5 : i32
    %mul3A_7 = arith.constant 4096 : i32
    %mul3A_8 = arith.muli %arg0, %mul3A_7 : i32
    %dma_wait3A = tpu.memref_slice %arg6[%arg0] : memref<8x!tpu.dma_semaphore, #tpu.memory_space<semaphore_mem>> -> memref<1x!tpu.dma_semaphore, #tpu.memory_space<semaphore_mem>>
    %dma_wait3A_9 = tpu.memref_squeeze %dma_wait3A : memref<1x!tpu.dma_semaphore, #tpu.memory_space<semaphore_mem>> -> memref<!tpu.dma_semaphore, #tpu.memory_space<semaphore_mem>>
    %dma_wait3A_10 = arith.constant 0 : i32
    %dma_wait3A_11 = tpu.memref_slice %arg5[%dma_wait3A_10, %mul3A_4] : memref<64x32768xf32, #tpu.memory_space<vmem>> -> memref<32x4096xf32, #tpu.memory_space<vmem>>
    %dma_wait3A_12 = arith.constant 0 : i32
    %dma_wait3A_13 = tpu.memref_slice %arg1[%dma_wait3A_12, %mul3A_2] : memref<64x32768xf32, #tpu.memory_space<any>> -> memref<32x4096xf32, #tpu.memory_space<any>>
    tpu.wait_dma2 semaphore(%dma_wait3A_9 : memref<!tpu.dma_semaphore, #tpu.memory_space<semaphore_mem>>) src(%dma_wait3A_13 : memref<32x4096xf32, #tpu.memory_space<any>>) dst(%dma_wait3A_11 : memref<32x4096xf32, #tpu.memory_space<vmem>>)
    %dma_wait3A_14 = tpu.memref_slice %arg6[%arg0] : memref<8x!tpu.dma_semaphore, #tpu.memory_space<semaphore_mem>> -> memref<1x!tpu.dma_semaphore, #tpu.memory_space<semaphore_mem>>
    %dma_wait3A_15 = tpu.memref_squeeze %dma_wait3A_14 : memref<1x!tpu.dma_semaphore, #tpu.memory_space<semaphore_mem>> -> memref<!tpu.dma_semaphore, #tpu.memory_space<semaphore_mem>>
    %dma_wait3A_16 = arith.constant 32 : i32
    %dma_wait3A_17 = tpu.memref_slice %arg5[%dma_wait3A_16, %mul3A_8] : memref<64x32768xf32, #tpu.memory_space<vmem>> -> memref<32x4096xf32, #tpu.memory_space<vmem>>
    %dma_wait3A_18 = arith.constant 32 : i32
    %dma_wait3A_19 = tpu.memref_slice %arg1[%dma_wait3A_18, %mul3A_6] : memref<64x32768xf32, #tpu.memory_space<any>> -> memref<32x4096xf32, #tpu.memory_space<any>>
    tpu.wait_dma2 semaphore(%dma_wait3A_15 : memref<!tpu.dma_semaphore, #tpu.memory_space<semaphore_mem>>) src(%dma_wait3A_19 : memref<32x4096xf32, #tpu.memory_space<any>>) dst(%dma_wait3A_17 : memref<32x4096xf32, #tpu.memory_space<vmem>>)
    %mul3A_20 = arith.constant 4096 : i32
    %mul3A_21 = arith.muli %arg0, %mul3A_20 : i32
    %get3A = arith.constant 0 : index
    %get3A_22 = arith.index_cast %mul3A_21 : i32 to index
    %get3A_23 = vector.load %arg5[%get3A, %get3A_22] : memref<64x32768xf32, #tpu.memory_space<vmem>>, vector<64x4096xf32>
    %convert_element_type3A_24 = arith.truncf %get3A_23 : vector<64x4096xf32> to vector<64x4096xbf16>
    %get3A_25 = arith.constant 0 : index
    %get3A_26 = arith.constant 0 : index
    %get3A_27 = vector.load %arg2[%get3A_25, %get3A_26] : memref<2048x128xbf16, #tpu.memory_space<vmem>>, vector<2048x128xbf16>
    %slice3A = vector.extract_strided_slice %convert_element_type3A_24 {offsets = [0, 0], sizes = [64, 2048], strides = [1, 1]} : vector<64x4096xbf16> to vector<64x2048xbf16>
    %slice3A_28 = vector.extract_strided_slice %get3A_27 {offsets = [0, 0], sizes = [2048, 64], strides = [1, 1]} : vector<2048x128xbf16> to vector<2048x64xbf16>
    %dot_general3A = arith.constant dense<0.000000e+00> : vector<64x64xf32>
    %dot_general3A_29 = tpu.matmul %slice3A, %slice3A_28, %dot_general3A {dimension_numbers = #tpu.dot_dimension_numbers<[1], [0], [0], [1], [0, 0, 1, 1], [], []>, transpose_lhs_hint = false} : vector<64x2048xbf16>, vector<2048x64xbf16>, vector<64x64xf32> -> vector<64x64xf32>
    %slice3A_30 = vector.extract_strided_slice %convert_element_type3A_24 {offsets = [0, 2048], sizes = [64, 2048], strides = [1, 1]} : vector<64x4096xbf16> to vector<64x2048xbf16>
    %slice3A_31 = vector.extract_strided_slice %get3A_27 {offsets = [0, 64], sizes = [2048, 64], strides = [1, 1]} : vector<2048x128xbf16> to vector<2048x64xbf16>
    %dot_general3A_32 = arith.constant dense<0.000000e+00> : vector<64x64xf32>
    %dot_general3A_33 = tpu.matmul %slice3A_30, %slice3A_31, %dot_general3A_32 {dimension_numbers = #tpu.dot_dimension_numbers<[1], [0], [0], [1], [0, 0, 1, 1], [], []>, transpose_lhs_hint = false} : vector<64x2048xbf16>, vector<2048x64xbf16>, vector<64x64xf32> -> vector<64x64xf32>
    %add3A = arith.addf %dot_general3A_29, %dot_general3A_33 : vector<64x64xf32>
    %iota3A = tpu.iota {dimensions = array<i32: 0>} : vector<64x64xi32>
    %iota3A_34 = tpu.iota {dimensions = array<i32: 1>} : vector<64x64xi32>
    %eq3A_35 = arith.cmpi eq, %iota3A, %iota3A_34 : vector<64x64xi32>
    %convert_element_type3A_36 = arith.extui %eq3A_35 : vector<64x64xi1> to vector<64x64xi32>
    %convert_element_type3A_37 = arith.sitofp %convert_element_type3A_36 : vector<64x64xi32> to vector<64x64xf32>
    %mul3A_38 = arith.mulf %add3A, %convert_element_type3A_37 : vector<64x64xf32>
    %reduce_sum3A = vector.shape_cast %mul3A_38 : vector<64x64xf32> to vector<1x64x64xf32>
    %reduce_sum3A_39 = arith.constant dense<0.000000e+00> : vector<1xf32>
    %reduce_sum3A_40 = vector.multi_reduction <add>, %reduce_sum3A, %reduce_sum3A_39 [1, 2] : vector<1x64x64xf32> to vector<1xf32>
    %reduce_sum3A_41 = vector.shape_cast %reduce_sum3A_40 : vector<1xf32> to vector<1x1x1xf32>
    %reduce_sum3A_42 = vector.extract %reduce_sum3A_41[0, 0, 0] : f32 from vector<1x1x1xf32>
    %eq3A_43 = arith.constant 0 : i32
    %eq3A_44 = arith.cmpi eq, %arg0, %eq3A_43 : i32
    %convert_element_type3A_45 = arith.extui %eq3A_44 : i1 to i32
    %cond3A_46 = arith.constant 0 : i32
    %cond3A_47 = arith.cmpi ne, %convert_element_type3A_45, %cond3A_46 : i32
    scf.if %cond3A_47 {
      %get3A_59 = arith.constant 0 : index
      %get3A_60 = arith.constant 0 : index
      %get3A_61 = memref.load %arg3[%get3A_59, %get3A_60] : memref<1x1xf32, #tpu.memory_space<smem>>
      %swap3A_62 = arith.constant 0 : index
      %swap3A_63 = arith.constant 0 : index
      %swap3A_64 = memref.load %arg4[%swap3A_62, %swap3A_63] : memref<1x1xf32, #tpu.memory_space<smem>>
      memref.store %get3A_61, %arg4[%swap3A_62, %swap3A_63] : memref<1x1xf32, #tpu.memory_space<smem>>
    } else {
    }
    %get3A_48 = arith.constant 0 : index
    %get3A_49 = arith.constant 0 : index
    %get3A_50 = memref.load %arg4[%get3A_48, %get3A_49] : memref<1x1xf32, #tpu.memory_space<smem>>
    %add3A_51 = arith.addf %get3A_50, %reduce_sum3A_42 : f32
    %swap3A = arith.constant 0 : index
    %swap3A_52 = arith.constant 0 : index
    %swap3A_53 = memref.load %arg4[%swap3A, %swap3A_52] : memref<1x1xf32, #tpu.memory_space<smem>>
    memref.store %add3A_51, %arg4[%swap3A, %swap3A_52] : memref<1x1xf32, #tpu.memory_space<smem>>
    %eq3A_54 = arith.constant 7 : i32
    %eq3A_55 = arith.cmpi eq, %arg0, %eq3A_54 : i32
    %convert_element_type3A_56 = arith.extui %eq3A_55 : i1 to i32
    %cond3A_57 = arith.constant 0 : i32
    %cond3A_58 = arith.cmpi ne, %convert_element_type3A_56, %cond3A_57 : i32
    scf.if %cond3A_58 {
      %get3A_59 = arith.constant 0 : index
      %get3A_60 = arith.constant 0 : index
      %get3A_61 = memref.load %arg4[%get3A_59, %get3A_60] : memref<1x1xf32, #tpu.memory_space<smem>>
      %mul3A_62 = arith.constant -4.76837158E-7 : f32
      %mul3A_63 = arith.mulf %get3A_61, %mul3A_62 : f32
      %swap3A_64 = arith.constant 0 : index
      %swap3A_65 = arith.constant 0 : index
      %swap3A_66 = memref.load %arg4[%swap3A_64, %swap3A_65] : memref<1x1xf32, #tpu.memory_space<smem>>
      memref.store %mul3A_63, %arg4[%swap3A_64, %swap3A_65] : memref<1x1xf32, #tpu.memory_space<smem>>
    } else {
    }
    return
  }
  func.func @transform_1(%arg0: i32) -> (i32, i32) {
    %c0_i32 = arith.constant 0 : i32
    %c0_i32_0 = arith.constant 0 : i32
    return %arg0, %c0_i32 : i32, i32
  }
  func.func @transform_2(%arg0: i32) -> (i32, i32) {
    %c0_i32 = arith.constant 0 : i32
    %c0_i32_0 = arith.constant 0 : i32
    %c0_i32_1 = arith.constant 0 : i32
    return %c0_i32, %c0_i32_0 : i32, i32
  }
  func.func @transform_3(%arg0: i32) -> (i32, i32) {
    %c0_i32 = arith.constant 0 : i32
    %c0_i32_0 = arith.constant 0 : i32
    %c0_i32_1 = arith.constant 0 : i32
    return %c0_i32, %c0_i32_0 : i32, i32
  }
}

module attributes {stable_mosaic.version = 14 : i64} {
  func.func @_logs_body(%arg0: i32, %arg1: memref<4096x64xf32, #tpu.memory_space<vmem>>, %arg2: memref<1x1xf32, #tpu.memory_space<smem>>, %arg3: memref<2048x128xbf16, #tpu.memory_space<vmem>>) attributes {dimension_semantics = [#tpu.dimension_semantics<arbitrary>], iteration_bounds = array<i64: 8>, scalar_prefetch = 0 : i64, scratch_operands = 0 : i64, tpu.core_type = #tpu.core_type<tc>, window_params = [{transform_indices = @transform_0, window_bounds = array<i64: 4096, 64>}, {transform_indices = @transform_1, window_bounds = array<i64: 1, 1>}, {transform_indices = @transform_2, window_bounds = array<i64: 2048, 128>}]} {
    %get3A = arith.constant 0 : index
    %get3A_0 = arith.constant 0 : index
    %get3A_1 = vector.load %arg1[%get3A, %get3A_0] : memref<4096x64xf32, #tpu.memory_space<vmem>>, vector<4096x64xf32>
    %slice3A = vector.extract_strided_slice %get3A_1 {offsets = [0, 0], sizes = [2048, 64], strides = [1, 1]} : vector<4096x64xf32> to vector<2048x64xf32>
    %slice3A_2 = vector.extract_strided_slice %get3A_1 {offsets = [2048, 0], sizes = [2048, 64], strides = [1, 1]} : vector<4096x64xf32> to vector<2048x64xf32>
    %concatenate3A = tpu.concatenate %slice3A, %slice3A_2 in 1 : vector<2048x64xf32>, vector<2048x64xf32> -> vector<2048x128xf32>
    %log3A = math.log %concatenate3A : vector<2048x128xf32>
    %sub3A = arith.constant 1.000000e+00 : f32
    %sub3A_3 = vector.broadcast %sub3A : f32 to vector<2048x128xf32>
    %sub3A_4 = arith.subf %sub3A_3, %concatenate3A : vector<2048x128xf32>
    %log3A_5 = math.log %sub3A_4 : vector<2048x128xf32>
    %sub3A_6 = arith.subf %log3A, %log3A_5 : vector<2048x128xf32>
    %convert_element_type3A = arith.truncf %sub3A_6 : vector<2048x128xf32> to vector<2048x128xbf16>
    %swap3A = arith.constant 0 : index
    %swap3A_7 = arith.constant 0 : index
    %swap3A_8 = vector.load %arg3[%swap3A, %swap3A_7] : memref<2048x128xbf16, #tpu.memory_space<vmem>>, vector<2048x128xbf16>
    tpu.vector_store %arg3[%swap3A, %swap3A_7], %convert_element_type3A {strides = array<i32>} : memref<2048x128xbf16, #tpu.memory_space<vmem>>, vector<2048x128xbf16>,
    %eq3A = arith.constant 0 : i32
    %eq3A_9 = arith.cmpi eq, %arg0, %eq3A : i32
    %convert_element_type3A_10 = arith.extui %eq3A_9 : i1 to i32
    %cond3A = arith.constant 0 : i32
    %cond3A_11 = arith.cmpi ne, %convert_element_type3A_10, %cond3A : i32
    scf.if %cond3A_11 {
      %swap3A_22 = arith.constant 0.000000e+00 : f32
      %swap3A_23 = arith.constant 0 : index
      %swap3A_24 = arith.constant 0 : index
      %swap3A_25 = memref.load %arg2[%swap3A_23, %swap3A_24] : memref<1x1xf32, #tpu.memory_space<smem>>
      memref.store %swap3A_22, %arg2[%swap3A_23, %swap3A_24] : memref<1x1xf32, #tpu.memory_space<smem>>
    } else {
    }
    %get3A_12 = arith.constant 0 : index
    %get3A_13 = arith.constant 0 : index
    %get3A_14 = memref.load %arg2[%get3A_12, %get3A_13] : memref<1x1xf32, #tpu.memory_space<smem>>
    %reduce_sum3A = vector.shape_cast %log3A_5 : vector<2048x128xf32> to vector<1x2048x128xf32>
    %reduce_sum3A_15 = arith.constant dense<0.000000e+00> : vector<1xf32>
    %reduce_sum3A_16 = vector.multi_reduction <add>, %reduce_sum3A, %reduce_sum3A_15 [1, 2] : vector<1x2048x128xf32> to vector<1xf32>
    %reduce_sum3A_17 = vector.shape_cast %reduce_sum3A_16 : vector<1xf32> to vector<1x1x1xf32>
    %reduce_sum3A_18 = vector.extract %reduce_sum3A_17[0, 0, 0] : f32 from vector<1x1x1xf32>
    %add3A = arith.addf %get3A_14, %reduce_sum3A_18 : f32
    %swap3A_19 = arith.constant 0 : index
    %swap3A_20 = arith.constant 0 : index
    %swap3A_21 = memref.load %arg2[%swap3A_19, %swap3A_20] : memref<1x1xf32, #tpu.memory_space<smem>>
    memref.store %add3A, %arg2[%swap3A_19, %swap3A_20] : memref<1x1xf32, #tpu.memory_space<smem>>
    return
  }
  func.func @transform_0(%arg0: i32) -> (i32, i32) {
    %c0_i32 = arith.constant 0 : i32
    %c0_i32_0 = arith.constant 0 : i32
    return %arg0, %c0_i32 : i32, i32
  }
  func.func @transform_1(%arg0: i32) -> (i32, i32) {
    %c0_i32 = arith.constant 0 : i32
    %c0_i32_0 = arith.constant 0 : i32
    %c0_i32_1 = arith.constant 0 : i32
    return %c0_i32, %c0_i32_0 : i32, i32
  }
  func.func @transform_2(%arg0: i32) -> (i32, i32) {
    %c0_i32 = arith.constant 0 : i32
    %c0_i32_0 = arith.constant 0 : i32
    return %arg0, %c0_i32 : i32, i32
  }
}

</mosaic_0001>

<sc_bundles>
// kernel: kernel.5.cloned.1.call-start
scs
__scs_entry_jumppad:
0x0: {  	(pc) =	sbr.rel $0x88, $3  }
0x1: {  	(tag) =	ssettag $0x0;
	lr =	simm.s32 $0x1  }
0x2: {  	[smem:$0x3F9F] =	sst lr;
	_ =	strace $0xD0000000  }
0x3: {  	_ = 	snop  }
0x4: {  	_ = 	snop  }
0x5: {  	_ = 	snop  }
0x6: {  	_ = 	snop  }
0x7: {  	_ = 	snop  }
__scs_overlays_trampoline_lowered:
0x8: {  	[smem:$0x3FAE] =	sst s0  }
0x9: {  	[smem:$0x3FAF] =	sst s1  }
0xa: {  	[smem:$0x3FB0] =	sst s2  }
0xb: {  	[smem:$0x3FB1] =	sst s3  }
0xc: {  	[smem:$0x3FB2] =	sst s4  }
0xd: {  	[smem:$0x3FB3] =	sst s5  }
0xe: {  	[smem:$0x3FB4] =	sst s6  }
0xf: {  	[smem:$0x3FB5] =	sst s7  }
0x10: {  	[smem:$0x3FB6] =	sst s8  }
0x11: {  	[smem:$0x3FB7] =	sst s9;
	s0 =	simm.s32 @!p0 $0x0  }
0x12: {  	s1 =	sld [smem:$0x3F9D];
	s0 =	simm.s32 @p0 $0x1  }
0x13: {  	[smem:$0x3FB8] =	sst s0;
	s0 =	simm.s32 @!p1 $0x0  }
0x14: {  	s2 =	sld [smem:$0x3F9C];
	s0 =	simm.s32 @p1 $0x1  }
0x15: {  	[smem:$0x3FB9] =	sst s0;
	s0 =	simm.s32 @!p2 $0x0  }
0x16: {  	s3 =	sld [smem:$0x3FDB];
	s0 =	simm.s32 @p2 $0x1  }
0x17: {  	s4 =	simm.s32 $0x1BF5;
	[smem:$0x3FBB] =	sst s0  }
0x18: {  	s0 =	sld [smem:$0x3F9E];
	_ =	swait.ge [sflag:s4], $0x0  }
0x19: {  	s7 =	sld [smem:$0x3F9F]  }
0x1a: {  	s8 =	sadd.s32 $0xFFFFE003, lr  }
0x1b: {  	s9 =	sadd.s32 $0xFFFFFEF7, lr;
	s5 =	simm.s32 $0xFFFFFFFF;
	p2 =	slt.u32 s8, $0xFFFFF086  }
0x1c: {  	p1 =	slt.u32 s9, $0xF7A;
	s5 =	simm.s32 @!p2 $0x0  }
0x1d: {  	s5 =	simm.s32 @p1 $0x1;
	p0 =	seq.s32 s7, s2  }
0x1e: {  	s7 =	smul.u32 @!p0 $0xF7A, s2;
	p2 =	seq.s32 @!p0 s5, $0x0  }
0x1f: {  	s9 =	smul.u32 $0xF7A, s1;
	s8 =	simm.s32 @!p0 $0x1BF5;
	p2 =	por !p2, p0  }
0x20: {  	[sflag:s8] =	ssyncset.s32 @!p0 $0xFFFFF086;
	s6 =	sadd.s32 @!p0 s3, s7;
	s7 =	simm.s32 @!p0 $0x108  }
0x21: {  	s3 =	sadd.s32 s3, s9;
	s6 =	sadd.s32 @!p0 $0x88, s6;
	s7 =	simm.s32 @p2 $0x1082  }
0x22: {  	[simem:s7], [sflag:s8] =	dma.local @!p0 [hbm:s6], $0xF7A  }
0x23: {  	s9 =	sor.u32 $0xD0000000, s2;
	s6 =	simm.s32 $0x108;
	_ =	swait.ge @!p0 [sflag:s8], $0x0  }
0x24: {  	s3 =	sadd.s32 $0x88, s3;
	s6 =	simm.s32 @!p1 $0x1082;
	[sflag:s4] =	ssyncset.s32 $0xFFFFF086  }
0x25: {  	[simem:s6], [sflag:s4] =	dma.local [hbm:s3], $0xF7A  }
0x26: {  	[smem:$0x3F9F] =	sst s1;
	(tag) =	ssettag s2;
	_ =	strace s9  }
0x27: {  	s1 =	sld [smem:$0x3FAF]  }
0x28: {  	s2 =	sld [smem:$0x3FB0]  }
0x29: {  	s4 =	sld [smem:$0x3FB2]  }
0x2a: {  	p0 =	seq.s32 s5, $0x0;
	s5 =	sld [smem:$0x3FB3]  }
0x2b: {  	s6 =	sld [smem:$0x3FB4]  }
0x2c: {  	s7 =	sld [smem:$0x3FB5]  }
0x2d: {  	s3 =	simm.s32 $0x108;
	s8 =	sld [smem:$0x3FB6]  }
0x2e: {  	s3 =	simm.s32 @!p0 $0x1082;
	s9 =	sld [smem:$0x3FB7]  }
0x2f: {  	lr =	sadd.s32 s0, s3;
	s0 =	sld [smem:$0x3FAE]  }
0x30: {  	s3 =	sld [smem:$0x3FB1]  }
0x31: {  	[smem:$0x3FBA] =	sst s10  }
0x32: {  	s10 =	sld [smem:$0x3FB8];
	_ =	sdelay $0x3  }
0x33: {  	p0 =	seq.s32 s10, $0x1;
	s10 =	sld [smem:$0x3FBA];
	_ =	sdelay $0x3  }
0x34: {  	[smem:$0x3FBA] =	sst s10  }
0x35: {  	s10 =	sld [smem:$0x3FB9];
	_ =	sdelay $0x3  }
0x36: {  	p1 =	seq.s32 s10, $0x1;
	s10 =	sld [smem:$0x3FBA];
	_ =	sdelay $0x3  }
0x37: {  	[smem:$0x3FBA] =	sst s10  }
0x38: {  	s10 =	sld [smem:$0x3FBB]  }
0x39: {  	_ = 	snop;
	(pc) =	sbr.ind lr, $3  }
0x3a: {  	_ = 	snop  }
0x3b: {  	_ = 	snop  }
0x3c: {  	p2 =	seq.s32 s10, $0x1;
	s10 =	sld [smem:$0x3FBA]  }
0x3d: {  	_ =	shalt  }
0x3e: {  	_ =	shalt  }
0x3f: {  	_ =	shalt  }
0x40: {  	_ =	shalt  }
0x41: {  	_ =	shalt  }
0x42: {  	_ =	shalt  }
0x43: {  	_ =	shalt  }
0x44: {  	_ =	shalt  }
0x45: {  	_ =	shalt  }
0x46: {  	_ =	shalt  }
0x47: {  	_ =	shalt  }
0x48: {  	_ =	shalt  }
0x49: {  	_ =	shalt  }
0x4a: {  	_ =	shalt  }
0x4b: {  	_ =	shalt  }
0x4c: {  	_ =	shalt  }
0x4d: {  	_ =	shalt  }
0x4e: {  	_ =	shalt  }
0x4f: {  	_ =	shalt  }
0x50: {  	_ =	shalt  }
0x51: {  	_ =	shalt  }
0x52: {  	_ =	shalt  }
0x53: {  	_ =	shalt  }
0x54: {  	_ =	shalt  }
0x55: {  	_ =	shalt  }
0x56: {  	_ =	shalt  }
0x57: {  	_ =	shalt  }
0x58: {  	_ =	shalt  }
0x59: {  	_ =	shalt  }
0x5a: {  	_ =	shalt  }
0x5b: {  	_ =	shalt  }
0x5c: {  	_ =	shalt  }
0x5d: {  	_ =	shalt  }
0x5e: {  	_ =	shalt  }
0x5f: {  	_ =	shalt  }
0x60: {  	_ =	shalt  }
0x61: {  	_ =	shalt  }
0x62: {  	_ =	shalt  }
0x63: {  	_ =	shalt  }
0x64: {  	_ =	shalt  }
0x65: {  	_ =	shalt  }
0x66: {  	_ =	shalt  }
0x67: {  	_ =	shalt  }
0x68: {  	_ =	shalt  }
0x69: {  	_ =	shalt  }
0x6a: {  	_ =	shalt  }
0x6b: {  	_ =	shalt  }
0x6c: {  	_ =	shalt  }
0x6d: {  	_ =	shalt  }
0x6e: {  	_ =	shalt  }
0x6f: {  	_ =	shalt  }
0x70: {  	_ =	shalt  }
0x71: {  	_ =	shalt  }
0x72: {  	_ =	shalt  }
0x73: {  	_ =	shalt  }
0x74: {  	_ =	shalt  }
0x75: {  	_ =	shalt  }
0x76: {  	_ =	shalt  }
0x77: {  	_ =	shalt  }
0x78: {  	_ =	shalt  }
0x79: {  	_ =	shalt  }
0x7a: {  	_ =	shalt  }
0x7b: {  	_ =	shalt  }
0x7c: {  	_ =	shalt  }
0x7d: {  	_ =	shalt  }
0x7e: {  	_ =	shalt  }
0x7f: {  	_ =	shalt  }
0x80: {  	_ =	shalt  }
0x81: {  	_ =	shalt  }
0x82: {  	_ =	shalt  }
0x83: {  	_ =	shalt  }
0x84: {  	_ =	shalt  }
0x85: {  	_ =	shalt  }
0x86: {  	_ =	shalt  }
0x87: {  	_ =	shalt  }
.Lfunc_end0:
.L_simem_size_0:
called_computation_lowered:
.L_overlay_start_0:
0x88: {  	s2 =	sld [smem:$0x3FD9]  }
0x89: {  	s3 =	sld [smem:$0x3FFE];
	_ =	sdelay $0x1  }
0x8a: {  	s1 =	srdreg.scid  }
0x8b: {  	s0 =	sand.u32 $0x1, s1  }
0x8c: {  	s17 =	sshll.u32 s0, $0xA;
	s2 =	sadd.s32 s3, s2  }
0x8d: {  	s2 =	sadd.s32 s2, s17  }
0x8e: {  	[smem:$0x3FC6] =	sst s2  }
0x8f: {  	_ = 	snop  }
0x90: {  	s2 =	sld [smem:$0x3FC8];
	(tm) =	ssettm $0x1  }
0x91: {  	s18 =	sld [smem:$0x3FFB];
	_ =	sdelay $0x3  }
0x92: {  	_ =	strace s18  }
0x93: {  	s3 =	sld [smem:$0x3FFC];
	_ =	sdelay $0x3  }
0x94: {  	_ =	strace s3  }
0x95: {  	s3 =	sld [smem:$0x3FFD];
	_ =	sdelay $0x3  }
0x96: {  	_ =	strace s3  }
0x97: {  	_ =	strace $0x8FFFFFFF  }
0x98: {  	s19 =	sld [smem:$0x3FDB];
	_ =	sdelay $0x1  }
0x99: {  	s4 =	simm.s32 $_scs_section_size  }
0x9a: {  	s5 =	simm.s32 $_size__tile_overlayer_lowered;
	s6 =	simm.s32 $_tile_overlayer_lowered  }
0x9b: {  	s22 =	simm.s32 $0x1BFF;
	s21 =	sshll.u32 s6, $0x1;
	s3 =	sadd.s32 s4, s19  }
0x9c: {  	s7 =	simm.s32 $0x0;
	s20 =	sshll.u32 s5, $0x1;
	s5 =	sadd.s32 s21, s3  }
0x9d: {  	[timem:s7], [sflag:s22] =	dma.local [hbm:s5], s20  }
0x9e: {  	_ =	swait.ge [sflag:s22], s20  }
0x9f: {  	s4 =	ssub.s32 $0x0, s20;
	[sflag:s22] =	ssyncset.done $0x0  }
0xa0: {  	[sflag:s22] =	ssyncadd.s32 s4;
	_ =	sdelay $0x1  }
0xa1: {  	s23 =	simm.s32 $0x1B8B  }
0xa2: {  	_ =	swait.ge [sflag:s23], $0x1  }
0xa3: {  	[sflag:s23] =	ssyncset.done $0x0  }
0xa4: {  	s25 =	simm.s32 $0x1B8E;
	s24 =	sld [smem:$0x3FFE];
	[sflag:s23] =	ssyncadd.s32 $0xFFFFFFFF  }
0xa5: {  	s26 =	simm.s32 $execute0_lowered;
	[smem:$0x3FD2] =	sst s25  }
0xa6: {  	s5 =	sshll.u32 s26, $0x1;
	_ =	strace $0x80000046;
	[dreg:$0x1] =	wrdreg $0xFFFFFFFF  }
0xa7: {  	s28 =	simm.s32 $_size_execute0_lowered;
	s3 =	sadd.s32 s3, s5;
	[dreg:$0x0] =	wrdreg $0x0  }
0xa8: {  	s5 =	sshll.u32 s28, $0x1;
	[dreg:$0x2] =	wrdreg s3  }
0xa9: {  	[dreg:$0x3] =	wrdreg s5  }
0xaa: {  	[dreg:$0x4] =	wrdreg $0xC0  }
0xab: {  	_ =	task [dreg:s7], $0x5FFFF  }
0xac: {  	[dreg:$0x1] =	wrdreg $0xFFFFFFFF  }
0xad: {  	[dreg:$0x0] =	wrdreg $0x60  }
0xae: {  	[dreg:$0x2] =	wrdreg s2  }
0xaf: {  	[dreg:$0x3] =	wrdreg s24  }
0xb0: {  	[dreg:$0x4] =	wrdreg $0x9  }
0xb1: {  	_ =	task.clear_ibuf [dreg:s7], $0x5FFFF;
	_ =	strace $0x90000046  }
0xb2: {  	s29 =	simm.s32 $0x9;
	_ =	strace $0x80000048  }
0xb3: {  	_ =	swait.ge [sflag:s29], $0x1  }
0xb4: {  	[sflag:s29] =	ssyncadd.s32 $0xFFFFFFFF  }
0xb5: {  	_ =	strace $0x90000048  }
0xb6: {  	_ =	sfence  }
0xb7: {  	s30 =	sld [smem:$0x0];
	_ =	sdelay $0x2  }
0xb8: {  	s31 =	sshll.u32 s1, $0xD;
	s1 =	sshrl.u32 s1, $0x2  }
0xb9: {  	s3 =	sand.u32 $0x4000, s31;
	s1 =	sadd.s32 s1, s30  }
0xba: {  	s0 =	sor.u32 s3, s0;
	s1 =	sshll.u32 s1, $0x11  }
0xbb: {  	s0 =	sor.u32 s1, s0  }
0xbc: {  	s0 =	sadd.s32 $0x8F2B, s0  }
0xbd: {  	[sflag:s0] =	ssyncadd.remote.s32 $0x1  }
0xbe: {  	_ =	sfence.sel $0xFFFF  }
0xbf: {  	[dreg:$0x0] =	wrdreg $0xFFFFFFFF;
	(pc) =	sbr.abs _section_cstart, $3  }
0xc0: {  	[dreg:$0x1] =	wrdreg $0xFFFFFFFF  }
0xc1: {  	_ =	task.clear_ibuf [dreg:s7], $0x2FFFF;
	_ =	strace $0x9FFFFFFF  }
0xc2: {  	(tm) =	ssettm $0x7FFFFFFF  }
0xc3: {  	_ =	shalt  }
tec
execute0_lowered:
.L_overlay_start_1:
0x0: {  	(tag) =	ssettag $0x1  }
0x1: {  	s8 =	rddreg [dreg:$0x0]  }
0x2: {  	s3 =	rddreg [dreg:$0x1]  }
0x3: {  	s0 =	rddreg [dreg:$0x2];
	s2 =	simm.s32 $0x0  }
0x4: {  	s4 =	srdreg.scid;
	s1 =	stileid.u32;
	s16 =	simm.s32 $0x6000  }
0x5: {  	s17 =	simm.s32 $0x8000;
	s18 =	simm.s32 $0xA000;
	s19 =	simm.s32 $0x1  }
0x6: {  	s20 =	simm.s32 $0xC000;
	[smem:$0x7FF] =	sst s2;
	s4 =	sand.u32 $0x1, s4  }
0x7: {  	s5 =	sshll.u32 s1, $0x9;
	s7 =	sshrl.u32 s1, $0x1;
	s11 =	sadd.s32 $0xA00, s3  }
0x8: {  	_ =	strace $0x80000047;
	s6 =	sshll.u32 s4, $0x8;
	s5 =	sand.u32 $0x200, s5  }
0x9: {  	s4 =	ssub.s32 $0x2, s4;
	s9 =	sshll.u32 s7, $0x10;
	s28 =	sshll.u32 s7, $0x12  }
0xa: {  	s10 =	sor.u32 s6, s5;
	s21 =	sshrl.u32 s4, $0x1;
	s23 =	sor.u32 $0x80000, s9  }
0xb: {  	s13 =	sor.u32 $0x100000, s9;
	s5 =	sor.u32 s9, s10;
	s12 =	ssub.s32 s4, s21  }
0xc: {  	s24 =	sor.u32 s10, s23;
	s25 =	sor.u32 s10, s13;
	s14 =	sor.u32 $0x80, s10  }
0xd: {  	s10 =	sor.u32 s28, s10;
	s21 =	simm.s32 $0x2;
	s22 =	sshrl.u32 s5, $0x3  }
0xe: {  	s4 =	sshrl.u32 s24, $0x3;
	s5 =	sshrl.u32 s25, $0x3;
	s9 =	sor.u32 s9, s14  }
0xf: {  	s15 =	sor.u32 s23, s14;
	s29 =	sor.u32 s13, s14;
	s10 =	sshrl.u32 s10, $0x3  }
0x10: {  	s30 =	sor.u32 s28, s14;
	s13 =	simm.s32 $0x400;
	s14 =	simm.s32 $0x2000  }
0x11: {  	s23 =	simm.s32 $0x3;
	s24 =	simm.s32 $0x0;
	s3 =	sadd.s32 s8, s22  }
0x12: {  	s4 =	sadd.s32 s8, s4;
	s5 =	sadd.s32 s8, s5;
	s9 =	sshrl.u32 s9, $0x3  }
0x13: {  	s26 =	sshrl.u32 s15, $0x3;
	s31 =	sshrl.u32 s30, $0x3;
	s15 =	simm.s32 $0x4000  }
0x14: {  	s22 =	simm.s32 $0x14000;
	s6 =	sadd.s32 s8, s9;
	s9 =	sshrl.u32 s29, $0x3  }
0x15: {  	s7 =	sadd.s32 s8, s26;
	s8 =	sadd.s32 s8, s9;
	s9 =	sadd.s32 s11, s10  }
0x16: {  	v0 =	vimm.f32 $0.0e+00;
	v1 =	vimm.f32 $1.000000000e+00;
	s10 =	sadd.s32 s11, s31;
	s11 =	smax.u32 s12, $0x1;
	s12 =	simm.s32 $0x80  }
.LBB2_1:
0x17: {  	[tilespmem:s2], [sflag:$0x1] =	stream.strided.gather [hbm4b:s3+s12], $0x2000, s13, s12, $0x38;
	[tilespmem:$0x1C000] =	vst v63  }
0x18: {  	_ = 	snop  }
0x19: {  	[tilespmem:s14], [sflag:$0x1] =	stream.strided.gather [hbm4b:s4+s12], $0x2000, s13, s12, $0x38;
	[tilespmem:$0x1C000] =	vst v63  }
0x1a: {  	_ = 	snop  }
0x1b: {  	[tilespmem:s15], [sflag:$0x1] =	stream.strided.gather [hbm4b:s5+s12], $0x2000, s13, s12, $0x38;
	[tilespmem:$0x1C000] =	vst v63  }
0x1c: {  	_ = 	snop  }
0x1d: {  	[tilespmem:s16], [sflag:$0x2] =	stream.strided.gather [hbm4b:s6+s12], $0x2000, s13, s12, $0x38;
	[tilespmem:$0x1C000] =	vst v63  }
0x1e: {  	_ = 	snop  }
0x1f: {  	[tilespmem:s17], [sflag:$0x2] =	stream.strided.gather [hbm4b:s7+s12], $0x2000, s13, s12, $0x38;
	[tilespmem:$0x1C000] =	vst v63  }
0x20: {  	s25 =	simm.s32 $0xC020  }
0x21: {  	[tilespmem:s18], [sflag:$0x2] =	stream.strided.gather [hbm4b:s8+s12], $0x2000, s13, s12, $0x38;
	[tilespmem:$0x1C000] =	vst v63  }
0x22: {  	[tilespmem:s25+$0xFFFFFFE0] =	vst v0  }
0x23: {  	[tilespmem:s25+$0x10] =	vst v0  }
0x24: {  	s26 =	simm.s32 $0x0;
	[tilespmem:s25+$0x0] =	vst v0  }
.LBB2_2:
0x25: {  	s26 =	sadd.s32 $0x4, s26  }
0x26: {  	[tilespmem:s25+$0xFFFFFFF0] =	vst v0;
	s25 =	sadd.s32 $0x40, s25;
	p0 =	slt.u32 s26, $0x7FC  }
.Ltmp0:
0x27: {  	[tilespmem:s25+$0xFFFFFFE0] =	vst v0;
	(pc) =	sbr.rel @p0 .LBB2_2-.Ltmp0, $3  }
0x28: {  	_ =	sdelay $0x1  }
0x29: {  	[tilespmem:s25+$0x10] =	vst v0  }
0x2a: {  	[tilespmem:s25+$0x0] =	vst v0  }
0x2b: {  	[tilespmem:s25+$0xFFFFFFF0] =	vst v0  }
0x2c: {  	_ =	swait.ge [sflag:s19], $0x2000  }
0x2d: {  	[sflag:s19] =	ssyncset.done $0x0  }
0x2e: {  	[sflag:s19] =	ssyncadd.s32 $0xFFFFE000  }
0x2f: {  	_ =	swait.ge [sflag:s19], $0x2000  }
0x30: {  	[sflag:s19] =	ssyncset.done $0x0  }
0x31: {  	[sflag:s19] =	ssyncadd.s32 $0xFFFFE000  }
0x32: {  	_ =	swait.ge [sflag:s19], $0x2000  }
0x33: {  	[sflag:s19] =	ssyncset.done $0x0  }
0x34: {  	s31 =	simm.s32 $0xC0;
	s26 =	simm.s32 $0x14060;
	[sflag:s19] =	ssyncadd.s32 $0xFFFFE000  }
0x35: {  	s28 =	sor.u32 $0x50, s31;
	[tilespmem:s26+$0x60] =	vst v0  }
0x36: {  	[tilespmem:s28+$0x14000] =	vst v0;
	s28 =	sor.u32 $0x60, s31  }
0x37: {  	s25 =	sor.u32 $0x70, s31;
	[tilespmem:s28+$0x14000] =	vst v0  }
0x38: {  	s28 =	simm.s32 $0x30;
	[tilespmem:s25+$0x14000] =	vst v0  }
0x39: {  	[tilespmem:s26+$0xFFFFFFB0] =	vst v0;
	v2 =	vld [tilespmem:s28+$0x0]  }
0x3a: {  	[tilespmem:s26+$0xFFFFFFC0] =	vst v0;
	v3 =	vld [tilespmem:s28+$0x2000]  }
0x3b: {  	[tilespmem:s26+$0xFFFFFFD0] =	vst v0  }
0x3c: {  	[tilespmem:s26+$0xFFFFFFE0] =	vst v0;
	v4 =	vld [tilespmem:s28+$0x4000]  }
0x3d: {  	[tilespmem:s26+$0xFFFFFFF0] =	vst v0  }
0x3e: {  	[tilespmem:s26+$0x0] =	vst v0  }
0x3f: {  	[tilespmem:s26+$0x10] =	vst v0;
	v2 =	vmul.f32 $1.550000000e+01, v2;
	v3 =	vmul.f32 $1.550000000e+01, v3  }
0x40: {  	[tilespmem:s26+$0x20] =	vst v0;
	v5 =	vld [tilespmem:s28+$0xFFFFFFE0]  }
0x41: {  	[tilespmem:s26+$0x30] =	vst v0;
	v4 =	vmul.f32 $1.550000000e+01, v4;
	v2 =	vadd.f32 $1.550000000e+01, v2;
	v3 =	vadd.f32 $1.550000000e+01, v3  }
0x42: {  	[tilespmem:s26+$0x40] =	vst v0;
	v6 =	vld [tilespmem:s28+$0x1FE0]  }
0x43: {  	[tilespmem:s26+$0x50] =	vst v0;
	v7 =	vld [tilespmem:s28+$0x3FE0];
	v8 =	vadd.f32 $1.550000000e+01, v4;
	v2 =	vtrunc.f32 v2;
	v3 =	vtrunc.f32 v3  }
0x44: {  	[tilespmem:s26+$0xFFFFFFA0] =	vst v0;
	v10 =	vld [tilespmem:s28+$0xFFFFFFF0];
	v2 =	vcvt.f32.s32 v2;
	v9 =	vcvt.f32.s32 v3  }
0x45: {  	v5 =	vmul.f32 $1.550000000e+01, v5;
	v4 =	vld [tilespmem:s28+$0xFFFFFFD0];
	v8 =	vtrunc.f32 v8  }
0x46: {  	v3 =	vld [tilespmem:s28+$0x1FD0];
	v11 =	vcvt.f32.s32 v8;
	v2 =	vshll.u32 v2, $0xA;
	v9 =	vshll.u32 v9, $0x5  }
0x47: {  	v13 =	vmul.f32 $1.550000000e+01, v6;
	v12 =	vadd.f32 $1.550000000e+01, v5;
	v5 =	vld [tilespmem:s28+$0x1FF0];
	v2 =	vadd.s32 v2, v9  }
0x48: {  	v6 =	vld [tilespmem:s28+$0x3FD0];
	v8 =	vmul.f32 $1.550000000e+01, v7;
	v2 =	vadd.s32 v11, v2  }
0x49: {  	s26 =	simm.s32 $0x1C0;
	s25 =	simm.s32 $0x0;
	v10 =	vmul.f32 $1.550000000e+01, v10;
	v7 =	vld [tilespmem:s28+$0x3FF0];
	s28 =	simm.s32 $0x14160;
	v9 =	vadd.f32 $1.550000000e+01, v13;
	v11 =	vtrunc.f32 v12  }
.LBB2_4:
0x4a: {  	[tilespmem:s28+$0x60] =	vst v0;
	s29 =	sor.u32 $0x50, s26;
	v4 =	vmul.f32 $1.550000000e+01, v4;
	v11 =	vcvt.f32.s32 v11;
	v8 =	vadd.f32 $1.550000000e+01, v8  }
0x4b: {  	[tilespmem:s29+$0x14000] =	vst v0;
	s29 =	sor.u32 $0x60, s26;
	v3 =	vmul.f32 $1.550000000e+01, v3;
	v9 =	vtrunc.f32 v9;
	v10 =	vadd.f32 $1.550000000e+01, v10  }
0x4c: {  	[tilespmem:s29+$0x14000] =	vst v0;
	v4 =	vadd.f32 $1.550000000e+01, v4;
	v9 =	vcvt.f32.s32 v9;
	v5 =	vmul.f32 $1.550000000e+01, v5  }
0x4d: {  	s30 =	sor.u32 $0x70, s26;
	v3 =	vadd.f32 $1.550000000e+01, v3;
	v6 =	vmul.f32 $1.550000000e+01, v6;
	v10 =	vtrunc.f32 v10;
	[tilespmem:v2+s20+$0x0] =	vst.idx.msk $0xffff, v1  }
0x4e: {  	s25 =	sadd.s32 $0x4, s25;
	s29 =	sshra.s32 s26, $0x2;
	[tilespmem:s30+$0x14000] =	vst v0;
	v2 =	vtrunc.f32 v4;
	v4 =	vadd.f32 $1.550000000e+01, v5;
	v5 =	vmul.f32 $1.550000000e+01, v7  }
0x4f: {  	p0 =	slt.u32 s25, $0x1FC;
	[tilespmem:s28+$0xFFFFFFB0] =	vst v0;
	v7 =	vld [tilespmem:s29+$0x0];
	v2 =	vcvt.f32.s32 v2;
	v3 =	vtrunc.f32 v3;
	v6 =	vadd.f32 $1.550000000e+01, v6  }
0x50: {  	[tilespmem:s28+$0xFFFFFFC0] =	vst v0;
	v12 =	vld [tilespmem:s29+$0x2000];
	v3 =	vcvt.f32.s32 v3;
	v4 =	vtrunc.f32 v4;
	v5 =	vadd.f32 $1.550000000e+01, v5  }
0x51: {  	v10 =	vcvt.f32.s32 v10;
	[tilespmem:s28+$0xFFFFFFD0] =	vst v0;
	v2 =	vshll.u32 v2, $0xA;
	v4 =	vcvt.f32.s32 v4  }
0x52: {  	v8 =	vtrunc.f32 v8;
	v6 =	vtrunc.f32 v6;
	[tilespmem:s28+$0xFFFFFFE0] =	vst v0;
	v13 =	vld [tilespmem:s29+$0x4000];
	v3 =	vshll.u32 v3, $0x5  }
0x53: {  	v11 =	vshll.u32 v11, $0xA;
	v9 =	vshll.u32 v9, $0x5;
	v5 =	vtrunc.f32 v5;
	[tilespmem:s28+$0xFFFFFFF0] =	vst v0  }
0x54: {  	v10 =	vshll.u32 v10, $0xA;
	v6 =	vcvt.f32.s32 v6;
	v4 =	vshll.u32 v4, $0x5;
	[tilespmem:s28+$0x0] =	vst v0  }
0x55: {  	v2 =	vadd.s32 v2, v3;
	v7 =	vmul.f32 $1.550000000e+01, v7;
	[tilespmem:s28+$0x10] =	vst v0;
	v12 =	vmul.f32 $1.550000000e+01, v12  }
0x56: {  	v8 =	vcvt.f32.s32 v8;
	v9 =	vadd.s32 v11, v9;
	v5 =	vcvt.f32.s32 v5;
	v3 =	vld [tilespmem:s29+$0xFFFFFFE0];
	[tilespmem:s28+$0x20] =	vst v0  }
0x57: {  	v7 =	vadd.f32 $1.550000000e+01, v7;
	v11 =	vld [tilespmem:s29+$0x1FE0];
	[tilespmem:s28+$0x30] =	vst v0;
	v12 =	vadd.f32 $1.550000000e+01, v12;
	v13 =	vmul.f32 $1.550000000e+01, v13  }
0x58: {  	v9 =	vadd.s32 v8, v9;
	v2 =	vadd.s32 v6, v2;
	v4 =	vadd.s32 v10, v4;
	v14 =	vld [tilespmem:s29+$0x3FE0];
	[tilespmem:s28+$0x40] =	vst v0  }
0x59: {  	v6 =	vtrunc.f32 v7;
	[tilespmem:s28+$0x50] =	vst v0;
	v7 =	vtrunc.f32 v12;
	v8 =	vadd.f32 $1.550000000e+01, v13  }
0x5a: {  	v6 =	vcvt.f32.s32 v6;
	v12 =	vadd.s32 v5, v4;
	[tilespmem:s28+$0xFFFFFFA0] =	vst v0;
	v10 =	vld [tilespmem:s29+$0xFFFFFFF0];
	v7 =	vcvt.f32.s32 v7  }
.Ltmp1:
0x5b: {  	v4 =	vld [tilespmem:s29+$0xFFFFFFD0];
	v5 =	vmul.f32 $1.550000000e+01, v3;
	v8 =	vtrunc.f32 v8;
	(pc) =	sbr.rel @p0 .LBB2_4-.Ltmp1, $4  }
0x5c: {  	v6 =	vshll.u32 v6, $0xA;
	v3 =	vld [tilespmem:s29+$0x1FD0];
	v7 =	vshll.u32 v7, $0x5;
	v13 =	vcvt.f32.s32 v8  }
0x5d: {  	v16 =	vmul.f32 $1.550000000e+01, v11;
	v15 =	vadd.f32 $1.550000000e+01, v5;
	v5 =	vld [tilespmem:s29+$0x1FF0];
	v7 =	vadd.s32 v6, v7;
	[tilespmem:v2+s20+$0x0] =	vst.idx.msk $0xffff, v1  }
0x5e: {  	v8 =	vmul.f32 $1.550000000e+01, v14;
	v6 =	vld [tilespmem:s29+$0x3FD0];
	v2 =	vadd.s32 v13, v7;
	[tilespmem:v9+s20+$0x0] =	vst.idx.msk $0xffff, v1  }
0x5f: {  	s26 =	sadd.s32 $0x100, s26;
	s28 =	sadd.s32 $0x100, s28;
	v9 =	vadd.f32 $1.550000000e+01, v16;
	v11 =	vtrunc.f32 v15;
	v10 =	vmul.f32 $1.550000000e+01, v10;
	v7 =	vld [tilespmem:s29+$0x3FF0];
	[tilespmem:v12+s20+$0x0] =	vst.idx.msk $0xffff, v1  }
0x60: {  	v4 =	vmul.f32 $1.550000000e+01, v4;
	v11 =	vcvt.f32.s32 v11  }
0x61: {  	v8 =	vadd.f32 $1.550000000e+01, v8;
	v3 =	vmul.f32 $1.550000000e+01, v3;
	v9 =	vtrunc.f32 v9  }
0x62: {  	v10 =	vadd.f32 $1.550000000e+01, v10;
	v4 =	vadd.f32 $1.550000000e+01, v4;
	v9 =	vcvt.f32.s32 v9  }
0x63: {  	v5 =	vmul.f32 $1.550000000e+01, v5;
	v8 =	vtrunc.f32 v8;
	v11 =	vshll.u32 v11, $0xA  }
0x64: {  	v3 =	vadd.f32 $1.550000000e+01, v3;
	v6 =	vmul.f32 $1.550000000e+01, v6;
	v10 =	vtrunc.f32 v10  }
0x65: {  	v4 =	vtrunc.f32 v4;
	v5 =	vadd.f32 $1.550000000e+01, v5;
	v7 =	vmul.f32 $1.550000000e+01, v7  }
0x66: {  	v10 =	vcvt.f32.s32 v10;
	v9 =	vshll.u32 v9, $0x5;
	v3 =	vtrunc.f32 v3  }
0x67: {  	v4 =	vcvt.f32.s32 v4;
	v6 =	vadd.f32 $1.550000000e+01, v6;
	v3 =	vcvt.f32.s32 v3  }
0x68: {  	v5 =	vtrunc.f32 v5;
	v7 =	vadd.f32 $1.550000000e+01, v7;
	v10 =	vshll.u32 v10, $0xA  }
0x69: {  	v4 =	vshll.u32 v4, $0xA;
	v5 =	vcvt.f32.s32 v5;
	v6 =	vtrunc.f32 v6  }
0x6a: {  	v3 =	vshll.u32 v3, $0x5;
	v7 =	vtrunc.f32 v7;
	v6 =	vcvt.f32.s32 v6  }
0x6b: {  	v5 =	vshll.u32 v5, $0x5;
	v3 =	vadd.s32 v4, v3;
	v4 =	vcvt.f32.s32 v8  }
0x6c: {  	v8 =	vadd.s32 v11, v9;
	v7 =	vcvt.f32.s32 v7;
	v3 =	vadd.s32 v6, v3  }
0x6d: {  	v5 =	vadd.s32 v10, v5;
	v4 =	vadd.s32 v4, v8  }
0x6e: {  	v5 =	vadd.s32 v7, v5;
	_ =	sdelay $0x1  }
0x6f: {  	[tilespmem:v2+s20+$0x0] =	vst.idx.msk $0xffff, v1  }
0x70: {  	[tilespmem:v3+s20+$0x0] =	vst.idx.msk $0xffff, v1  }
0x71: {  	[tilespmem:v4+s20+$0x0] =	vst.idx.msk $0xffff, v1  }
0x72: {  	[tilespmem:v5+s20+$0x0] =	vst.idx.msk $0xffff, v1  }
0x73: {  	[hbm4b:s9+s12] =	stream.strided.scatter [tilespmem:s20], [sflag:$0x3], $0x8000, s13, s12, $0x38;
	[tilespmem:$0x1C000] =	vst v63  }
0x74: {  	_ =	swait.ge [sflag:s21], $0x2000  }
0x75: {  	[sflag:s21] =	ssyncset.done $0x0  }
0x76: {  	[sflag:s21] =	ssyncadd.s32 $0xFFFFE000  }
0x77: {  	_ =	swait.ge [sflag:s21], $0x2000  }
0x78: {  	[sflag:s21] =	ssyncset.done $0x0  }
0x79: {  	[sflag:s21] =	ssyncadd.s32 $0xFFFFE000  }
0x7a: {  	_ =	swait.ge [sflag:s21], $0x2000  }
0x7b: {  	[sflag:s21] =	ssyncset.done $0x0  }
0x7c: {  	s28 =	simm.s32 $0x6020;
	[sflag:s21] =	ssyncadd.s32 $0xFFFFE000  }
0x7d: {  	s25 =	simm.s32 $0x8020;
	v2 =	vld [tilespmem:s28+$0x10]  }
0x7e: {  	s26 =	simm.s32 $0xA020;
	v3 =	vld [tilespmem:s25+$0x10]  }
0x7f: {  	v4 =	vld [tilespmem:s26+$0x10]  }
0x80: {  	v5 =	vld [tilespmem:s25+$0xFFFFFFE0]  }
0x81: {  	v6 =	vld [tilespmem:s28+$0xFFFFFFF0]  }
0x82: {  	v7 =	vld [tilespmem:s25+$0xFFFFFFF0]  }
0x83: {  	v8 =	vld [tilespmem:s28+$0x0]  }
0x84: {  	v10 =	vld [tilespmem:s28+$0xFFFFFFE0]  }
0x85: {  	v2 =	vmul.f32 $1.550000000e+01, v2  }
0x86: {  	v3 =	vmul.f32 $1.550000000e+01, v3;
	v4 =	vmul.f32 $1.550000000e+01, v4  }
0x87: {  	v13 =	vld [tilespmem:s26+$0x0];
	v5 =	vmul.f32 $1.550000000e+01, v5;
	v6 =	vmul.f32 $1.550000000e+01, v6  }
0x88: {  	v7 =	vmul.f32 $1.550000000e+01, v7;
	v2 =	vadd.f32 $1.550000000e+01, v2;
	v3 =	vadd.f32 $1.550000000e+01, v3  }
0x89: {  	v10 =	vmul.f32 $1.550000000e+01, v10;
	v8 =	vmul.f32 $1.550000000e+01, v8  }
0x8a: {  	v9 =	vld [tilespmem:s25+$0x0];
	v4 =	vadd.f32 $1.550000000e+01, v4;
	v2 =	vtrunc.f32 v2;
	v3 =	vtrunc.f32 v3  }
0x8b: {  	v11 =	vld [tilespmem:s26+$0xFFFFFFE0];
	v2 =	vcvt.f32.s32 v2;
	v3 =	vcvt.f32.s32 v3  }
0x8c: {  	v12 =	vld [tilespmem:s26+$0xFFFFFFF0];
	v62 =	vmul.f32 $1.550000000e+01, v13;
	v5 =	vadd.f32 $1.550000000e+01, v5;
	v4 =	vtrunc.f32 v4  }
0x8d: {  	v4 =	vcvt.f32.s32 v4;
	v2 =	vshll.u32 v2, $0xA;
	v3 =	vshll.u32 v3, $0x5  }
0x8e: {  	v6 =	vadd.f32 $1.550000000e+01, v6;
	v15 =	vtrunc.f32 v5;
	v2 =	vadd.s32 v2, v3  }
0x8f: {  	v3 =	vadd.f32 $1.550000000e+01, v7;
	v7 =	vmul.f32 $1.550000000e+01, v9;
	v9 =	vadd.s32 v4, v2  }
0x90: {  	v2 =	vadd.f32 $1.550000000e+01, v10;
	v4 =	vmul.f32 $1.550000000e+01, v11;
	v10 =	vadd.f32 $1.550000000e+01, v8  }
0x91: {  	v11 =	vmul.f32 $1.550000000e+01, v12;
	v63 =	vadd.f32 $1.550000000e+01, v7;
	v7 =	vtrunc.f32 v6  }
0x92: {  	v8 =	vtrunc.f32 v3;
	v3 =	vadd.f32 $1.550000000e+01, v62;
	v14 =	vtrunc.f32 v2  }
0x93: {  	v2 =	vadd.f32 $1.550000000e+01, v4;
	v5 =	vtrunc.f32 v10;
	v6 =	vtrunc.f32 v63  }
0x94: {  	s29 =	simm.s32 $0x6060;
	s28 =	simm.s32 $0x0;
	v4 =	vadd.f32 $1.550000000e+01, v11;
	v10 =	vcvt.f32.s32 v14;
	[tilespmem:v9+s22+$0x0] =	vst.idx.msk $0xffff, v1;
	v9 =	vcvt.f32.s32 v15  }
.LBB2_6:
0x95: {  	v11 =	vld [tilespmem:s29+$0x10];
	v7 =	vcvt.f32.s32 v7;
	v8 =	vcvt.f32.s32 v8;
	s25 =	sadd.s32 $0x40, s25  }
0x96: {  	s28 =	sadd.s32 $0x4, s28;
	v5 =	vcvt.f32.s32 v5;
	v6 =	vcvt.f32.s32 v6;
	v12 =	vld [tilespmem:s25+$0x10];
	v10 =	vshll.u32 v10, $0xA  }
0x97: {  	v2 =	vtrunc.f32 v2;
	v4 =	vtrunc.f32 v4;
	s26 =	sadd.s32 $0x40, s26;
	p0 =	slt.u32 s28, $0x1FC;
	v9 =	vshll.u32 v9, $0x5;
	v13 =	vld [tilespmem:s25+$0xFFFFFFE0]  }
0x98: {  	v3 =	vtrunc.f32 v3;
	v7 =	vshll.u32 v7, $0xA;
	v8 =	vshll.u32 v8, $0x5;
	v14 =	vld [tilespmem:s26+$0x10]  }
0x99: {  	v2 =	vcvt.f32.s32 v2;
	v5 =	vshll.u32 v5, $0xA;
	v6 =	vshll.u32 v6, $0x5;
	v15 =	vld [tilespmem:s29+$0xFFFFFFF0]  }
0x9a: {  	v4 =	vcvt.f32.s32 v4;
	v3 =	vcvt.f32.s32 v3;
	v9 =	vadd.s32 v10, v9;
	v16 =	vld [tilespmem:s25+$0xFFFFFFF0]  }
0x9b: {  	v7 =	vadd.s32 v7, v8;
	v11 =	vmul.f32 $1.550000000e+01, v11;
	v10 =	vld [tilespmem:s29+$0x0];
	v12 =	vmul.f32 $1.550000000e+01, v12  }
0x9c: {  	v2 =	vadd.s32 v2, v9;
	v5 =	vadd.s32 v5, v6;
	v8 =	vmul.f32 $1.550000000e+01, v13;
	v13 =	vld [tilespmem:s25+$0x0]  }
0x9d: {  	v9 =	vadd.f32 $1.550000000e+01, v11;
	v6 =	vld [tilespmem:s29+$0xFFFFFFE0];
	v11 =	vadd.f32 $1.550000000e+01, v12;
	v12 =	vmul.f32 $1.550000000e+01, v14  }
0x9e: {  	v4 =	vadd.s32 v4, v7;
	v8 =	vadd.f32 $1.550000000e+01, v8;
	v14 =	vld [tilespmem:s26+$0xFFFFFFE0];
	v15 =	vmul.f32 $1.550000000e+01, v15  }
0x9f: {  	v9 =	vtrunc.f32 v9;
	v7 =	vld [tilespmem:s26+$0xFFFFFFF0];
	v11 =	vtrunc.f32 v11;
	v12 =	vadd.f32 $1.550000000e+01, v12  }
0xa0: {  	v9 =	vcvt.f32.s32 v9;
	v15 =	vadd.f32 $1.550000000e+01, v15;
	v17 =	vld [tilespmem:s26+$0x0];
	v11 =	vcvt.f32.s32 v11  }
0xa1: {  	v16 =	vmul.f32 $1.550000000e+01, v16;
	v12 =	vtrunc.f32 v12;
	[tilespmem:v2+s22+$0x0] =	vst.idx.msk $0xffff, v1;
	v2 =	vadd.s32 v3, v5  }
0xa2: {  	v3 =	vshll.u32 v9, $0xA;
	v5 =	vshll.u32 v11, $0x5;
	v9 =	vcvt.f32.s32 v12  }
0xa3: {  	v10 =	vmul.f32 $1.550000000e+01, v10;
	v6 =	vmul.f32 $1.550000000e+01, v6;
	v3 =	vadd.s32 v3, v5;
	[tilespmem:v4+s22+$0x0] =	vst.idx.msk $0xffff, v1  }
0xa4: {  	v4 =	vadd.f32 $1.550000000e+01, v16;
	v5 =	vmul.f32 $1.550000000e+01, v13;
	v9 =	vadd.s32 v9, v3  }
0xa5: {  	v10 =	vadd.f32 $1.550000000e+01, v10;
	v3 =	vadd.f32 $1.550000000e+01, v6;
	v6 =	vmul.f32 $1.550000000e+01, v14  }
.Ltmp2:
0xa6: {  	v11 =	vmul.f32 $1.550000000e+01, v7;
	v12 =	vadd.f32 $1.550000000e+01, v5;
	v13 =	vmul.f32 $1.550000000e+01, v17;
	[tilespmem:v2+s22+$0x0] =	vst.idx.msk $0xffff, v1;
	(pc) =	sbr.rel @p0 .LBB2_6-.Ltmp2, $4  }
0xa7: {  	v16 =	vtrunc.f32 v8;
	v14 =	vtrunc.f32 v3;
	v2 =	vadd.f32 $1.550000000e+01, v6  }
0xa8: {  	v7 =	vtrunc.f32 v15;
	v8 =	vtrunc.f32 v4;
	v4 =	vadd.f32 $1.550000000e+01, v11  }
0xa9: {  	v5 =	vtrunc.f32 v10;
	v6 =	vtrunc.f32 v12;
	v3 =	vadd.f32 $1.550000000e+01, v13;
	[tilespmem:v9+s22+$0x0] =	vst.idx.msk $0xffff, v1  }
0xaa: {  	s29 =	sadd.s32 $0x40, s29;
	v10 =	vcvt.f32.s32 v14;
	v9 =	vcvt.f32.s32 v16  }
0xab: {  	v7 =	vcvt.f32.s32 v7  }
0xac: {  	v8 =	vcvt.f32.s32 v8;
	v5 =	vcvt.f32.s32 v5  }
0xad: {  	v6 =	vcvt.f32.s32 v6;
	v2 =	vtrunc.f32 v2  }
0xae: {  	v4 =	vtrunc.f32 v4;
	v3 =	vtrunc.f32 v3  }
0xaf: {  	v10 =	vshll.u32 v10, $0xA;
	v9 =	vshll.u32 v9, $0x5;
	v2 =	vcvt.f32.s32 v2  }
0xb0: {  	v4 =	vcvt.f32.s32 v4;
	v3 =	vcvt.f32.s32 v3;
	v7 =	vshll.u32 v7, $0xA  }
0xb1: {  	v8 =	vshll.u32 v8, $0x5;
	v5 =	vshll.u32 v5, $0xA;
	v9 =	vadd.s32 v10, v9  }
0xb2: {  	v6 =	vshll.u32 v6, $0x5;
	v7 =	vadd.s32 v7, v8;
	v2 =	vadd.s32 v2, v9  }
0xb3: {  	v5 =	vadd.s32 v5, v6;
	v4 =	vadd.s32 v4, v7  }
0xb4: {  	v3 =	vadd.s32 v3, v5;
	_ =	sdelay $0x2  }
0xb5: {  	[tilespmem:v2+s22+$0x0] =	vst.idx.msk $0xffff, v1  }
0xb6: {  	[tilespmem:v4+s22+$0x0] =	vst.idx.msk $0xffff, v1  }
0xb7: {  	s24 =	sadd.s32 $0x1, s24;
	[tilespmem:v3+s22+$0x0] =	vst.idx.msk $0xffff, v1  }
0xb8: {  	[hbm4b:s10+s12] =	stream.strided.scatter [tilespmem:s22], [sflag:$0x3], $0x8000, s13, s12, $0x38;
	[tilespmem:$0x1C000] =	vst v63  }
0xb9: {  	p0 =	sne.s32 s24, s11;
	_ =	swait.ge [sflag:s23], $0x8000  }
.Ltmp3:
0xba: {  	[sflag:s23] =	ssyncset.done $0x0;
	(pc) =	sbr.rel @p0 .LBB2_1-.Ltmp3, $4  }
0xbb: {  	[sflag:s23] =	ssyncadd.s32 $0xFFFF8000  }
0xbc: {  	_ =	swait.ge [sflag:s23], $0x8000  }
0xbd: {  	[sflag:s23] =	ssyncset.done $0x0  }
0xbe: {  	[sflag:s23] =	ssyncadd.s32 $0xFFFF8000  }
0xbf: {  	_ =	sfence.sel $0x180000  }
0xc0: {  	[bflag:$0x0] =	sbarrier.arrive $0xFFFF  }
0xc1: {  	p0 =	sne.s32 s1, $0x0;
	_ =	strace $0x90000047  }
0xc2: {  	s0 =	sadd.s32 @!p0 $0x100000, s0;
	[bflag:$0x2] =	sbarrier.arrive $0xFFFF  }
0xc3: {  	[sflag:s0] =	ssyncadd.tile.s32 @!p0 $0x1;
	_ =	shalt  }
.Lfunc_end2:
_tile_overlayer_lowered:
.L_overlay_start_2:
0xc4: {  	(tag) =	ssettag $0x2  }
0xc5: {  	s0 =	rddreg [dreg:$0x0];
	s2 =	stileid.u32  }
0xc6: {  	s1 =	rddreg [dreg:$0x1];
	p0 =	sne.s32 s2, $0x0  }
0xc7: {  	s3 =	rddreg [dreg:$0x2];
	[bflag:$0x3] =	sbarrier.arrive $0xFFFF;
	s2 =	simm.s32 @!p0 $0x1C04  }
0xc8: {  	[timem:s3], [sflag:s2] =	dma.local @!p0 [hbm:s0], s1  }
0xc9: {  	s0 =	simm.s32 @!p0 $0x4  }
0xca: {  	_ =	swait.ge @!p0 [sflag:s0], s1  }
0xcb: {  	s1 =	ssub.s32 @!p0 $0x0, s1;
	[sflag:s0] =	ssyncset.done @!p0 $0x0  }
0xcc: {  	[sflag:s0] =	ssyncadd.s32 @!p0 s1  }
0xcd: {  	[bflag:$0x3] =	sbarrier.arrive $0xFFFF  }
0xce: {  	_ =	shalt  }

</sc_bundles>
